<compile_context>
chip_gen: v7x
topology: tpu7x:2x2x1
jax: 0.10.2.dev20260603
libtpu: 0.0.44.dev20260713+nightly
codegen_flags: <defaults>
</compile_context>

<pallas_src>
import jax
import jax.numpy as jnp
from jax import lax
from jax.experimental import pallas as pl
from jax.experimental.pallas import tpu as pltpu
from jax.experimental.pallas import tpu_sc as plsc

N = 10000
E = 320000
D = 128

NC = 2
NS = 16
NW = NC * NS

EPC = 100
NCH = E // EPC
CPW = NCH // NW
NP_ = 10240
RPS = NP_ // NS

_mesh = plsc.VectorSubcoreMesh(core_axis_name="c", subcore_axis_name="s")


def _sc_aggregate(x, eint, zrows):

    def body(x_hbm, e_hbm, z_hbm, acc_out,
             ib0, ib1, ib2, rows0, rows1, rows2, acc_sh, sg0, sg1, sg2):
        c = lax.axis_index("c")
        s = lax.axis_index("s")
        wid = c * NS + s

        pltpu.sync_copy(z_hbm, acc_sh.at[pl.ds(s * RPS, RPS)])
        plsc.subcore_barrier()

        ibs = (ib0, ib1, ib2)
        rbs = (rows0, rows1, rows2)
        sgs = (sg0, sg1, sg2)

        pltpu.sync_copy(e_hbm.at[wid], ib0)
        pltpu.async_copy(x_hbm.at[ib0.at[0]], rows0, sg0)
        pltpu.sync_copy(e_hbm.at[wid + NW], ib1)
        pltpu.async_copy(x_hbm.at[ib1.at[0]], rows1, sg1)

        @pl.loop(0, CPW, step=3)
        def _(ci):
            for k in range(3):
                kk = (k + 2) % 3

                @pl.when(ci + k + 2 < CPW)
                def _(k=k, kk=kk):
                    pltpu.sync_copy(e_hbm.at[wid + NW * (ci + k + 2)], ibs[kk])
                    pltpu.async_copy(x_hbm.at[ibs[kk].at[0]], rbs[kk], sgs[kk])

                @pl.when(ci + k < CPW)
                def _(k=k):
                    pltpu.make_async_copy(x_hbm.at[ibs[k].at[0]], rbs[k],
                                          sgs[k]).wait()
                    pltpu.sync_copy(rbs[k], acc_sh.at[ibs[k].at[1]], add=True)

        plsc.subcore_barrier()
        pltpu.sync_copy(acc_sh.at[pl.ds(s * RPS, RPS)],
                        acc_out.at[pl.ds(c * NP_ + s * RPS, RPS)])

    run = pl.kernel(body, out_type=jax.ShapeDtypeStruct((NC * NP_, D), jnp.float32),
                    mesh=_mesh,
                    scratch_types=[
                        pltpu.VMEM((2, EPC), jnp.int32),
                        pltpu.VMEM((2, EPC), jnp.int32),
                        pltpu.VMEM((2, EPC), jnp.int32),
                        pltpu.VMEM((EPC, D), jnp.float32),
                        pltpu.VMEM((EPC, D), jnp.float32),
                        pltpu.VMEM((EPC, D), jnp.float32),
                        pltpu.VMEM_SHARED((NP_, D), jnp.float32),
                        pltpu.SemaphoreType.DMA,
                        pltpu.SemaphoreType.DMA,
                        pltpu.SemaphoreType.DMA,
                    ])
    return run(x, eint, zrows)


def _sc_degree(eint, zrows, ones_rows):

    def body(e_hbm, z_hbm, ones_hbm, deg_out, ib0, ib1, ones_v, acc_sh, sem):
        c = lax.axis_index("c")
        s = lax.axis_index("s")
        wid = c * NS + s

        pltpu.sync_copy(z_hbm, acc_sh.at[pl.ds(s * RPS, RPS)])
        pltpu.sync_copy(ones_hbm, ones_v)
        plsc.subcore_barrier()

        pltpu.sync_copy(e_hbm.at[wid], ib0)

        @pl.loop(0, CPW, step=2)
        def _(ci):
            d0 = pltpu.async_copy(ones_v, acc_sh.at[ib0.at[1]], sem, add=True)
            pltpu.sync_copy(e_hbm.at[wid + NW * (ci + 1)], ib1)
            d0.wait()
            d1 = pltpu.async_copy(ones_v, acc_sh.at[ib1.at[1]], sem, add=True)

            @pl.when(ci + 2 < CPW)
            def _():
                pltpu.sync_copy(e_hbm.at[wid + NW * (ci + 2)], ib0)

            d1.wait()

        plsc.subcore_barrier()
        pltpu.sync_copy(acc_sh.at[pl.ds(s * RPS, RPS)],
                        deg_out.at[pl.ds(c * NP_ + s * RPS, RPS)])

    run = pl.kernel(body, out_type=jax.ShapeDtypeStruct((NC * NP_, D), jnp.float32),
                    mesh=_mesh,
                    scratch_types=[
                        pltpu.VMEM((2, EPC), jnp.int32),
                        pltpu.VMEM((2, EPC), jnp.int32),
                        pltpu.VMEM((EPC, D), jnp.float32),
                        pltpu.VMEM_SHARED((NP_, D), jnp.float32),
                        pltpu.SemaphoreType.DMA,
                    ])
    return run(eint, zrows, ones_rows)


_BR = 1000


def _tc_combine(acc, degw, x, W_l, W_r, b, relu):

    def body(acc_ref, deg_ref, x_ref, wl_ref, wr_ref, b_ref, o_ref):
        s = acc_ref[0] + acc_ref[1]
        deg = deg_ref[0, :, 0] + deg_ref[1, :, 0]
        mean = s / jnp.clip(deg, 1.0, None)[:, None]
        y = (jnp.dot(mean, wl_ref[...], preferred_element_type=jnp.float32)
             + jnp.dot(x_ref[...], wr_ref[...], preferred_element_type=jnp.float32)
             + b_ref[...])
        o_ref[...] = jnp.maximum(y, 0.0) if relu else y

    return pl.pallas_call(
        body,
        grid=(N // _BR,),
        in_specs=[
            pl.BlockSpec((NC, _BR, D), lambda i: (0, i, 0)),
            pl.BlockSpec((NC, _BR, D), lambda i: (0, i, 0)),
            pl.BlockSpec((_BR, D), lambda i: (i, 0)),
            pl.BlockSpec((D, D), lambda i: (0, 0)),
            pl.BlockSpec((D, D), lambda i: (0, 0)),
            pl.BlockSpec((1, D), lambda i: (0, 0)),
        ],
        out_specs=pl.BlockSpec((_BR, D), lambda i: (i, 0)),
        out_shape=jax.ShapeDtypeStruct((N, D), jnp.float32),
    )(acc, degw, x, W_l, W_r, b)


@jax.jit
def kernel(x, edge_index, W_l1, W_r1, b1, W_l2, W_r2, b2):
    ei = edge_index.astype(jnp.int32)
    zrows = jnp.zeros((RPS, D), jnp.float32)
    ones_rows = jnp.ones((EPC, D), jnp.float32)
    b1r = b1.reshape(1, D)
    b2r = b2.reshape(1, D)

    eint = jnp.stack([ei[0].reshape(NCH, EPC), ei[1].reshape(NCH, EPC)],
                     axis=1)
    degw = _sc_degree(eint, zrows, ones_rows).reshape(NC, NP_, D)
    acc1 = _sc_aggregate(x, eint, zrows).reshape(NC, NP_, D)
    h = _tc_combine(acc1, degw, x, W_l1, W_r1, b1r, True)
    acc2 = _sc_aggregate(h, eint, zrows).reshape(NC, NP_, D)
    out = _tc_combine(acc2, degw, h, W_l2, W_r2, b2r, False)
    return out

# --- scband reference (transcript-rebuilt; emitter-appended) ---
"""Pipeline reference for scband-baseline-graph-sage-28346784153651 (READ-ONLY COPY).

The authoritative reference and input builder live on the scoring server;
editing this copy changes nothing except your own understanding.
"""

import jax, jax.numpy as jnp
import numpy as np

N_NODES = 10000
N_EDGES = 320000
D_IN = 128
D_HID = 128
D_OUT = 128


def setup_inputs(seed: int = 0) -> dict:
    key = jax.random.key(seed)
    ks = jax.random.split(key, 8)
    x = jax.random.normal(ks[0], (N_NODES, D_IN), dtype=jnp.float32)
    edge_index = jax.random.randint(ks[1], (2, N_EDGES), 0, N_NODES, dtype=jnp.int64)
    # SAGEConv params: lin_l acts on aggregated neighbors, lin_r on root features
    s = 1.0 / np.sqrt(D_IN)
    W_l1 = jax.random.uniform(ks[2], (D_IN, D_HID), dtype=jnp.float32, minval=-s, maxval=s)
    W_r1 = jax.random.uniform(ks[3], (D_IN, D_HID), dtype=jnp.float32, minval=-s, maxval=s)
    b1 = jnp.zeros((D_HID,), dtype=jnp.float32)
    s2 = 1.0 / np.sqrt(D_HID)
    W_l2 = jax.random.uniform(ks[4], (D_HID, D_OUT), dtype=jnp.float32, minval=-s2, maxval=s2)
    W_r2 = jax.random.uniform(ks[5], (D_HID, D_OUT), dtype=jnp.float32, minval=-s2, maxval=s2)
    b2 = jnp.zeros((D_OUT,), dtype=jnp.float32)
    return {"x": x, "edge_index": edge_index, "W_l1": W_l1, "W_r1": W_r1, "b1": b1,
            "W_l2": W_l2, "W_r2": W_r2, "b2": b2}


def _sage_conv(x, edge_index, W_l, W_r, b):
    src = edge_index[0]
    dst = edge_index[1]
    msgs = jnp.take(x, src, axis=0)                       # gather source features [E, d]
    agg = jax.ops.segment_sum(msgs, dst, num_segments=N_NODES)
    deg = jax.ops.segment_sum(jnp.ones((msgs.shape[0],), dtype=x.dtype), dst, num_segments=N_NODES)
    mean = agg / jnp.clip(deg, 1.0, None)[:, None]        # mean aggregation
    return mean @ W_l + x @ W_r + b


def reference(x, edge_index, W_l1, W_r1, b1, W_l2, W_r2, b2):
    h = jax.nn.relu(_sage_conv(x, edge_index, W_l1, W_r1, b1))
    # dropout is identity in eval mode (training=False)
    out = _sage_conv(h, edge_index, W_l2, W_r2, b2)
    return out

if __name__ == "__main__":
    import jax
    _d = setup_inputs()
    print(jax.jit(kernel)(*tuple(_d.values())))

</pallas_src>

<mosaic_0001>
#map = affine_map<(d0, d1) -> (0, 0)>
#map1 = affine_map<(d0, d1) -> (0, 0, 0)>
module attributes {stable_mosaic.version = 14 : i64} {
  func.func @body(%arg0: i32, %arg1: i32, %arg2: memref<10000x128xf32, #tpu.memory_space<hbm>>, %arg3: memref<3200x2x100xi32, #tpu.memory_space<hbm>>, %arg4: memref<640x128xf32, #tpu.memory_space<hbm>>, %arg5: memref<20480x128xf32, #tpu.memory_space<hbm>>, %arg6: memref<2x100xi32, #tpu.memory_space<vmem>>, %arg7: memref<2x100xi32, #tpu.memory_space<vmem>>, %arg8: memref<2x100xi32, #tpu.memory_space<vmem>>, %arg9: memref<100x128xf32, #tpu.memory_space<vmem>>, %arg10: memref<100x128xf32, #tpu.memory_space<vmem>>, %arg11: memref<100x128xf32, #tpu.memory_space<vmem>>, %arg12: memref<10240x128xf32, #tpu.memory_space<vmem_shared>>, %arg13: memref<!tpu.dma_semaphore, #tpu.memory_space<semaphore_mem>>, %arg14: memref<!tpu.dma_semaphore, #tpu.memory_space<semaphore_mem>>, %arg15: memref<!tpu.dma_semaphore, #tpu.memory_space<semaphore_mem>>) attributes {dimension_semantics = [#tpu.dimension_semantics<core_parallel>, #tpu.dimension_semantics<subcore_parallel>], iteration_bounds = array<i64: 2, 16>, scalar_prefetch = 0 : i64, scratch_operands = 10 : i64, tpu.core_type = #tpu.core_type<sc_vector_subcore>, window_params = [{transform_indices = #map}, {transform_indices = #map1}, {transform_indices = #map}, {transform_indices = #map}]} {
    %mul3A = arith.constant 16 : i32
    %mul3A_0 = arith.muli %arg0, %mul3A : i32
    %add3A = arith.addi %mul3A_0, %arg1 : i32
    %mul3A_1 = arith.constant 640 : i32
    %mul3A_2 = arith.muli %arg1, %mul3A_1 : i32
    "tpu.region"() ({
      %run_scoped3A = tpu.sem_alloc : memref<!tpu.dma_semaphore, #tpu.memory_space<semaphore_mem>>
      %dma_start3A_30 = arith.constant 0 : i32
      %dma_start3A_31 = tpu.memref_slice %arg12[%mul3A_2, %dma_start3A_30] : memref<10240x128xf32, #tpu.memory_space<vmem_shared>> -> memref<640x128xf32, #tpu.memory_space<vmem_shared>>
      tpu.enqueue_dma source(%arg4 : memref<640x128xf32, #tpu.memory_space<hbm>>) target(%dma_start3A_31 : memref<640x128xf32, #tpu.memory_space<vmem_shared>>) target_semaphore(%run_scoped3A : memref<!tpu.dma_semaphore, #tpu.memory_space<semaphore_mem>>)
      %dma_wait3A = arith.constant 0 : i32
      %dma_wait3A_32 = tpu.memref_slice %arg12[%mul3A_2, %dma_wait3A] : memref<10240x128xf32, #tpu.memory_space<vmem_shared>> -> memref<640x128xf32, #tpu.memory_space<vmem_shared>>
      tpu.wait_dma2 semaphore(%run_scoped3A : memref<!tpu.dma_semaphore, #tpu.memory_space<semaphore_mem>>) src(%arg4 : memref<640x128xf32, #tpu.memory_space<hbm>>) dst(%dma_wait3A_32 : memref<640x128xf32, #tpu.memory_space<vmem_shared>>)
      tpu.yield
    }) : () -> ()
    %barrier3A = arith.constant 0 : index
    tpu.barrier barrier_id(%barrier3A)
    "tpu.region"() ({
      %run_scoped3A = tpu.sem_alloc : memref<!tpu.dma_semaphore, #tpu.memory_space<semaphore_mem>>
      %dma_start3A_30 = arith.constant 0 : i32
      %dma_start3A_31 = arith.constant 0 : i32
      %dma_start3A_32 = tpu.memref_slice %arg3[%add3A, %dma_start3A_30, %dma_start3A_31] : memref<3200x2x100xi32, #tpu.memory_space<hbm>> -> memref<1x2x100xi32, #tpu.memory_space<hbm>>
      %dma_start3A_33 = tpu.memref_squeeze %dma_start3A_32 : memref<1x2x100xi32, #tpu.memory_space<hbm>> -> memref<2x100xi32, #tpu.memory_space<hbm>>
      %dma_start3A_34 = arith.constant 0 : i32
      %dma_start3A_35 = arith.constant 0 : i32
      %dma_start3A_36 = tpu.memref_slice %arg3[%add3A, %dma_start3A_34, %dma_start3A_35] : memref<3200x2x100xi32, #tpu.memory_space<hbm>> -> memref<1x2x100xi32, #tpu.memory_space<hbm>>
      %dma_start3A_37 = tpu.memref_squeeze %dma_start3A_36 : memref<1x2x100xi32, #tpu.memory_space<hbm>> -> memref<2x100xi32, #tpu.memory_space<hbm>>
      tpu.enqueue_dma source(%dma_start3A_37 : memref<2x100xi32, #tpu.memory_space<hbm>>) target(%arg6 : memref<2x100xi32, #tpu.memory_space<vmem>>) target_semaphore(%run_scoped3A : memref<!tpu.dma_semaphore, #tpu.memory_space<semaphore_mem>>)
      %dma_wait3A = arith.constant 0 : i32
      %dma_wait3A_38 = arith.constant 0 : i32
      %dma_wait3A_39 = tpu.memref_slice %arg3[%add3A, %dma_wait3A, %dma_wait3A_38] : memref<3200x2x100xi32, #tpu.memory_space<hbm>> -> memref<1x2x100xi32, #tpu.memory_space<hbm>>
      %dma_wait3A_40 = tpu.memref_squeeze %dma_wait3A_39 : memref<1x2x100xi32, #tpu.memory_space<hbm>> -> memref<2x100xi32, #tpu.memory_space<hbm>>
      %dma_wait3A_41 = arith.constant 0 : i32
      %dma_wait3A_42 = arith.constant 0 : i32
      %dma_wait3A_43 = tpu.memref_slice %arg3[%add3A, %dma_wait3A_41, %dma_wait3A_42] : memref<3200x2x100xi32, #tpu.memory_space<hbm>> -> memref<1x2x100xi32, #tpu.memory_space<hbm>>
      %dma_wait3A_44 = tpu.memref_squeeze %dma_wait3A_43 : memref<1x2x100xi32, #tpu.memory_space<hbm>> -> memref<2x100xi32, #tpu.memory_space<hbm>>
      tpu.wait_dma2 semaphore(%run_scoped3A : memref<!tpu.dma_semaphore, #tpu.memory_space<semaphore_mem>>) src(%dma_wait3A_44 : memref<2x100xi32, #tpu.memory_space<hbm>>) dst(%arg6 : memref<2x100xi32, #tpu.memory_space<vmem>>)
      tpu.yield
    }) : () -> ()
    %dma_start3A = arith.constant 0 : i32
    %dma_start3A_3 = arith.constant 0 : i32
    %dma_start3A_4 = tpu.memref_slice %arg6[%dma_start3A, %dma_start3A_3] : memref<2x100xi32, #tpu.memory_space<vmem>> -> memref<1x100xi32, #tpu.memory_space<vmem>>
    %dma_start3A_5 = tpu.memref_squeeze %dma_start3A_4 : memref<1x100xi32, #tpu.memory_space<vmem>> -> memref<100xi32, #tpu.memory_space<vmem>>
    %dma_start3A_6 = arith.constant 0 : i32
    %dma_start3A_7 = arith.constant 0 : i32
    %dma_start3A_8 = tpu.memref_slice %arg2[%dma_start3A_6, %dma_start3A_7] : memref<10000x128xf32, #tpu.memory_space<hbm>> -> memref<10000x128xf32, #tpu.memory_space<hbm>>
    tpu.enqueue_indirect_dma source(%dma_start3A_8 : memref<10000x128xf32, #tpu.memory_space<hbm>>) target(%arg9 : memref<100x128xf32, #tpu.memory_space<vmem>>) offsets(%dma_start3A_5 : memref<100xi32, #tpu.memory_space<vmem>>) semaphore(%arg13 : memref<!tpu.dma_semaphore, #tpu.memory_space<semaphore_mem>>)
    %add3A_9 = arith.constant 32 : i32
    %add3A_10 = arith.addi %add3A, %add3A_9 : i32
    "tpu.region"() ({
      %run_scoped3A = tpu.sem_alloc : memref<!tpu.dma_semaphore, #tpu.memory_space<semaphore_mem>>
      %dma_start3A_30 = arith.constant 0 : i32
      %dma_start3A_31 = arith.constant 0 : i32
      %dma_start3A_32 = tpu.memref_slice %arg3[%add3A_10, %dma_start3A_30, %dma_start3A_31] : memref<3200x2x100xi32, #tpu.memory_space<hbm>> -> memref<1x2x100xi32, #tpu.memory_space<hbm>>
      %dma_start3A_33 = tpu.memref_squeeze %dma_start3A_32 : memref<1x2x100xi32, #tpu.memory_space<hbm>> -> memref<2x100xi32, #tpu.memory_space<hbm>>
      %dma_start3A_34 = arith.constant 0 : i32
      %dma_start3A_35 = arith.constant 0 : i32
      %dma_start3A_36 = tpu.memref_slice %arg3[%add3A_10, %dma_start3A_34, %dma_start3A_35] : memref<3200x2x100xi32, #tpu.memory_space<hbm>> -> memref<1x2x100xi32, #tpu.memory_space<hbm>>
      %dma_start3A_37 = tpu.memref_squeeze %dma_start3A_36 : memref<1x2x100xi32, #tpu.memory_space<hbm>> -> memref<2x100xi32, #tpu.memory_space<hbm>>
      tpu.enqueue_dma source(%dma_start3A_37 : memref<2x100xi32, #tpu.memory_space<hbm>>) target(%arg7 : memref<2x100xi32, #tpu.memory_space<vmem>>) target_semaphore(%run_scoped3A : memref<!tpu.dma_semaphore, #tpu.memory_space<semaphore_mem>>)
      %dma_wait3A = arith.constant 0 : i32
      %dma_wait3A_38 = arith.constant 0 : i32
      %dma_wait3A_39 = tpu.memref_slice %arg3[%add3A_10, %dma_wait3A, %dma_wait3A_38] : memref<3200x2x100xi32, #tpu.memory_space<hbm>> -> memref<1x2x100xi32, #tpu.memory_space<hbm>>
      %dma_wait3A_40 = tpu.memref_squeeze %dma_wait3A_39 : memref<1x2x100xi32, #tpu.memory_space<hbm>> -> memref<2x100xi32, #tpu.memory_space<hbm>>
      %dma_wait3A_41 = arith.constant 0 : i32
      %dma_wait3A_42 = arith.constant 0 : i32
      %dma_wait3A_43 = tpu.memref_slice %arg3[%add3A_10, %dma_wait3A_41, %dma_wait3A_42] : memref<3200x2x100xi32, #tpu.memory_space<hbm>> -> memref<1x2x100xi32, #tpu.memory_space<hbm>>
      %dma_wait3A_44 = tpu.memref_squeeze %dma_wait3A_43 : memref<1x2x100xi32, #tpu.memory_space<hbm>> -> memref<2x100xi32, #tpu.memory_space<hbm>>
      tpu.wait_dma2 semaphore(%run_scoped3A : memref<!tpu.dma_semaphore, #tpu.memory_space<semaphore_mem>>) src(%dma_wait3A_44 : memref<2x100xi32, #tpu.memory_space<hbm>>) dst(%arg7 : memref<2x100xi32, #tpu.memory_space<vmem>>)
      tpu.yield
    }) : () -> ()
    %dma_start3A_11 = arith.constant 0 : i32
    %dma_start3A_12 = arith.constant 0 : i32
    %dma_start3A_13 = tpu.memref_slice %arg7[%dma_start3A_11, %dma_start3A_12] : memref<2x100xi32, #tpu.memory_space<vmem>> -> memref<1x100xi32, #tpu.memory_space<vmem>>
    %dma_start3A_14 = tpu.memref_squeeze %dma_start3A_13 : memref<1x100xi32, #tpu.memory_space<vmem>> -> memref<100xi32, #tpu.memory_space<vmem>>
    %dma_start3A_15 = arith.constant 0 : i32
    %dma_start3A_16 = arith.constant 0 : i32
    %dma_start3A_17 = tpu.memref_slice %arg2[%dma_start3A_15, %dma_start3A_16] : memref<10000x128xf32, #tpu.memory_space<hbm>> -> memref<10000x128xf32, #tpu.memory_space<hbm>>
    tpu.enqueue_indirect_dma source(%dma_start3A_17 : memref<10000x128xf32, #tpu.memory_space<hbm>>) target(%arg10 : memref<100x128xf32, #tpu.memory_space<vmem>>) offsets(%dma_start3A_14 : memref<100xi32, #tpu.memory_space<vmem>>) semaphore(%arg14 : memref<!tpu.dma_semaphore, #tpu.memory_space<semaphore_mem>>)
    %scan3A = arith.constant 0 : i32
    %scan3A_18 = arith.constant 34 : i32
    %scan3A_19 = arith.addi %scan3A, %scan3A_18 : i32
    %scan3A_20 = arith.constant 1 : i32
    scf.for %scan3A_30 = %scan3A to %scan3A_19 step %scan3A_20  : i32 {
      %mul3A_31 = arith.constant 3 : i32
      %mul3A_32 = arith.muli %scan3A_30, %mul3A_31 : i32
      %add3A_33 = arith.constant 0 : i32
      %add3A_34 = arith.addi %add3A_33, %mul3A_32 : i32
      %add3A_35 = arith.constant 0 : i32
      %add3A_36 = arith.addi %add3A_34, %add3A_35 : i32
      %add3A_37 = arith.constant 2 : i32
      %add3A_38 = arith.addi %add3A_36, %add3A_37 : i32
      %lt3A = arith.constant 100 : i32
      %lt3A_39 = arith.cmpi slt, %add3A_38, %lt3A : i32
      %convert_element_type3A = arith.extui %lt3A_39 : i1 to i32
      %cond3A = arith.constant 0 : i32
      %cond3A_40 = arith.cmpi ne, %convert_element_type3A, %cond3A : i32
      scf.if %cond3A_40 {
        %add3A_80 = arith.constant 0 : i32
        %add3A_81 = arith.addi %add3A_34, %add3A_80 : i32
        %add3A_82 = arith.constant 2 : i32
        %add3A_83 = arith.addi %add3A_81, %add3A_82 : i32
        %mul3A_84 = arith.constant 32 : i32
        %mul3A_85 = arith.muli %mul3A_84, %add3A_83 : i32
        %add3A_86 = arith.addi %add3A, %mul3A_85 : i32
        "tpu.region"() ({
          %run_scoped3A = tpu.sem_alloc : memref<!tpu.dma_semaphore, #tpu.memory_space<semaphore_mem>>
          %dma_start3A_94 = arith.constant 0 : i32
          %dma_start3A_95 = arith.constant 0 : i32
          %dma_start3A_96 = tpu.memref_slice %arg3[%add3A_86, %dma_start3A_94, %dma_start3A_95] : memref<3200x2x100xi32, #tpu.memory_space<hbm>> -> memref<1x2x100xi32, #tpu.memory_space<hbm>>
          %dma_start3A_97 = tpu.memref_squeeze %dma_start3A_96 : memref<1x2x100xi32, #tpu.memory_space<hbm>> -> memref<2x100xi32, #tpu.memory_space<hbm>>
          %dma_start3A_98 = arith.constant 0 : i32
          %dma_start3A_99 = arith.constant 0 : i32
          %dma_start3A_100 = tpu.memref_slice %arg3[%add3A_86, %dma_start3A_98, %dma_start3A_99] : memref<3200x2x100xi32, #tpu.memory_space<hbm>> -> memref<1x2x100xi32, #tpu.memory_space<hbm>>
          %dma_start3A_101 = tpu.memref_squeeze %dma_start3A_100 : memref<1x2x100xi32, #tpu.memory_space<hbm>> -> memref<2x100xi32, #tpu.memory_space<hbm>>
          tpu.enqueue_dma source(%dma_start3A_101 : memref<2x100xi32, #tpu.memory_space<hbm>>) target(%arg8 : memref<2x100xi32, #tpu.memory_space<vmem>>) target_semaphore(%run_scoped3A : memref<!tpu.dma_semaphore, #tpu.memory_space<semaphore_mem>>)
          %dma_wait3A = arith.constant 0 : i32
          %dma_wait3A_102 = arith.constant 0 : i32
          %dma_wait3A_103 = tpu.memref_slice %arg3[%add3A_86, %dma_wait3A, %dma_wait3A_102] : memref<3200x2x100xi32, #tpu.memory_space<hbm>> -> memref<1x2x100xi32, #tpu.memory_space<hbm>>
          %dma_wait3A_104 = tpu.memref_squeeze %dma_wait3A_103 : memref<1x2x100xi32, #tpu.memory_space<hbm>> -> memref<2x100xi32, #tpu.memory_space<hbm>>
          %dma_wait3A_105 = arith.constant 0 : i32
          %dma_wait3A_106 = arith.constant 0 : i32
          %dma_wait3A_107 = tpu.memref_slice %arg3[%add3A_86, %dma_wait3A_105, %dma_wait3A_106] : memref<3200x2x100xi32, #tpu.memory_space<hbm>> -> memref<1x2x100xi32, #tpu.memory_space<hbm>>
          %dma_wait3A_108 = tpu.memref_squeeze %dma_wait3A_107 : memref<1x2x100xi32, #tpu.memory_space<hbm>> -> memref<2x100xi32, #tpu.memory_space<hbm>>
          tpu.wait_dma2 semaphore(%run_scoped3A : memref<!tpu.dma_semaphore, #tpu.memory_space<semaphore_mem>>) src(%dma_wait3A_108 : memref<2x100xi32, #tpu.memory_space<hbm>>) dst(%arg8 : memref<2x100xi32, #tpu.memory_space<vmem>>)
          tpu.yield
        }) : () -> ()
        %dma_start3A_87 = arith.constant 0 : i32
        %dma_start3A_88 = arith.constant 0 : i32
        %dma_start3A_89 = tpu.memref_slice %arg8[%dma_start3A_87, %dma_start3A_88] : memref<2x100xi32, #tpu.memory_space<vmem>> -> memref<1x100xi32, #tpu.memory_space<vmem>>
        %dma_start3A_90 = tpu.memref_squeeze %dma_start3A_89 : memref<1x100xi32, #tpu.memory_space<vmem>> -> memref<100xi32, #tpu.memory_space<vmem>>
        %dma_start3A_91 = arith.constant 0 : i32
        %dma_start3A_92 = arith.constant 0 : i32
        %dma_start3A_93 = tpu.memref_slice %arg2[%dma_start3A_91, %dma_start3A_92] : memref<10000x128xf32, #tpu.memory_space<hbm>> -> memref<10000x128xf32, #tpu.memory_space<hbm>>
        tpu.enqueue_indirect_dma source(%dma_start3A_93 : memref<10000x128xf32, #tpu.memory_space<hbm>>) target(%arg11 : memref<100x128xf32, #tpu.memory_space<vmem>>) offsets(%dma_start3A_90 : memref<100xi32, #tpu.memory_space<vmem>>) semaphore(%arg15 : memref<!tpu.dma_semaphore, #tpu.memory_space<semaphore_mem>>)
      } else {
      }
      %add3A_41 = arith.constant 0 : i32
      %add3A_42 = arith.addi %add3A_34, %add3A_41 : i32
      %lt3A_43 = arith.constant 100 : i32
      %lt3A_44 = arith.cmpi slt, %add3A_42, %lt3A_43 : i32
      %convert_element_type3A_45 = arith.extui %lt3A_44 : i1 to i32
      %cond3A_46 = arith.constant 0 : i32
      %cond3A_47 = arith.cmpi ne, %convert_element_type3A_45, %cond3A_46 : i32
      scf.if %cond3A_47 {
        %dma_wait3A = arith.constant 0 : i32
        %dma_wait3A_80 = arith.constant 0 : i32
        %dma_wait3A_81 = tpu.memref_slice %arg6[%dma_wait3A, %dma_wait3A_80] : memref<2x100xi32, #tpu.memory_space<vmem>> -> memref<1x100xi32, #tpu.memory_space<vmem>>
        %dma_wait3A_82 = tpu.memref_squeeze %dma_wait3A_81 : memref<1x100xi32, #tpu.memory_space<vmem>> -> memref<100xi32, #tpu.memory_space<vmem>>
        %dma_wait3A_83 = arith.constant 0 : i32
        %dma_wait3A_84 = arith.constant 0 : i32
        %dma_wait3A_85 = tpu.memref_slice %arg2[%dma_wait3A_83, %dma_wait3A_84] : memref<10000x128xf32, #tpu.memory_space<hbm>> -> memref<10000x128xf32, #tpu.memory_space<hbm>>
        tpu.wait_indirect_dma semaphore(%arg13 : memref<!tpu.dma_semaphore, #tpu.memory_space<semaphore_mem>>) src(%dma_wait3A_85 : memref<10000x128xf32, #tpu.memory_space<hbm>>) dst(%arg9 : memref<100x128xf32, #tpu.memory_space<vmem>>)
        %run_scoped3A = arith.constant 1 : i32
        "tpu.region"() ({
          %run_scoped3A_86 = tpu.sem_alloc : memref<!tpu.dma_semaphore, #tpu.memory_space<semaphore_mem>>
          %dma_start3A_87 = arith.constant 0 : i32
          %dma_start3A_88 = tpu.memref_slice %arg6[%run_scoped3A, %dma_start3A_87] : memref<2x100xi32, #tpu.memory_space<vmem>> -> memref<1x100xi32, #tpu.memory_space<vmem>>
          %dma_start3A_89 = tpu.memref_squeeze %dma_start3A_88 : memref<1x100xi32, #tpu.memory_space<vmem>> -> memref<100xi32, #tpu.memory_space<vmem>>
          %dma_start3A_90 = arith.constant 0 : i32
          %dma_start3A_91 = arith.constant 0 : i32
          %dma_start3A_92 = tpu.memref_slice %arg12[%dma_start3A_90, %dma_start3A_91] : memref<10240x128xf32, #tpu.memory_space<vmem_shared>> -> memref<10240x128xf32, #tpu.memory_space<vmem_shared>>
          tpu.enqueue_indirect_dma source(%arg9 : memref<100x128xf32, #tpu.memory_space<vmem>>) target(%dma_start3A_92 : memref<10240x128xf32, #tpu.memory_space<vmem_shared>>) offsets(%dma_start3A_89 : memref<100xi32, #tpu.memory_space<vmem>>) semaphore(%run_scoped3A_86 : memref<!tpu.dma_semaphore, #tpu.memory_space<semaphore_mem>>) {add = true}
          %dma_wait3A_93 = arith.constant 0 : i32
          %dma_wait3A_94 = tpu.memref_slice %arg6[%run_scoped3A, %dma_wait3A_93] : memref<2x100xi32, #tpu.memory_space<vmem>> -> memref<1x100xi32, #tpu.memory_space<vmem>>
          %dma_wait3A_95 = tpu.memref_squeeze %dma_wait3A_94 : memref<1x100xi32, #tpu.memory_space<vmem>> -> memref<100xi32, #tpu.memory_space<vmem>>
          %dma_wait3A_96 = arith.constant 0 : i32
          %dma_wait3A_97 = arith.constant 0 : i32
          %dma_wait3A_98 = tpu.memref_slice %arg12[%dma_wait3A_96, %dma_wait3A_97] : memref<10240x128xf32, #tpu.memory_space<vmem_shared>> -> memref<10240x128xf32, #tpu.memory_space<vmem_shared>>
          tpu.wait_indirect_dma semaphore(%run_scoped3A_86 : memref<!tpu.dma_semaphore, #tpu.memory_space<semaphore_mem>>) src(%arg9 : memref<100x128xf32, #tpu.memory_space<vmem>>) dst(%dma_wait3A_98 : memref<10240x128xf32, #tpu.memory_space<vmem_shared>>)
          tpu.yield
        }) : () -> ()
      } else {
      }
      %add3A_48 = arith.constant 1 : i32
      %add3A_49 = arith.addi %add3A_34, %add3A_48 : i32
      %add3A_50 = arith.constant 2 : i32
      %add3A_51 = arith.addi %add3A_49, %add3A_50 : i32
      %lt3A_52 = arith.constant 100 : i32
      %lt3A_53 = arith.cmpi slt, %add3A_51, %lt3A_52 : i32
      %convert_element_type3A_54 = arith.extui %lt3A_53 : i1 to i32
      %cond3A_55 = arith.constant 0 : i32
      %cond3A_56 = arith.cmpi ne, %convert_element_type3A_54, %cond3A_55 : i32
      scf.if %cond3A_56 {
        %add3A_80 = arith.constant 1 : i32
        %add3A_81 = arith.addi %add3A_34, %add3A_80 : i32
        %add3A_82 = arith.constant 2 : i32
        %add3A_83 = arith.addi %add3A_81, %add3A_82 : i32
        %mul3A_84 = arith.constant 32 : i32
        %mul3A_85 = arith.muli %mul3A_84, %add3A_83 : i32
        %add3A_86 = arith.addi %add3A, %mul3A_85 : i32
        "tpu.region"() ({
          %run_scoped3A = tpu.sem_alloc : memref<!tpu.dma_semaphore, #tpu.memory_space<semaphore_mem>>
          %dma_start3A_94 = arith.constant 0 : i32
          %dma_start3A_95 = arith.constant 0 : i32
          %dma_start3A_96 = tpu.memref_slice %arg3[%add3A_86, %dma_start3A_94, %dma_start3A_95] : memref<3200x2x100xi32, #tpu.memory_space<hbm>> -> memref<1x2x100xi32, #tpu.memory_space<hbm>>
          %dma_start3A_97 = tpu.memref_squeeze %dma_start3A_96 : memref<1x2x100xi32, #tpu.memory_space<hbm>> -> memref<2x100xi32, #tpu.memory_space<hbm>>
          %dma_start3A_98 = arith.constant 0 : i32
          %dma_start3A_99 = arith.constant 0 : i32
          %dma_start3A_100 = tpu.memref_slice %arg3[%add3A_86, %dma_start3A_98, %dma_start3A_99] : memref<3200x2x100xi32, #tpu.memory_space<hbm>> -> memref<1x2x100xi32, #tpu.memory_space<hbm>>
          %dma_start3A_101 = tpu.memref_squeeze %dma_start3A_100 : memref<1x2x100xi32, #tpu.memory_space<hbm>> -> memref<2x100xi32, #tpu.memory_space<hbm>>
          tpu.enqueue_dma source(%dma_start3A_101 : memref<2x100xi32, #tpu.memory_space<hbm>>) target(%arg6 : memref<2x100xi32, #tpu.memory_space<vmem>>) target_semaphore(%run_scoped3A : memref<!tpu.dma_semaphore, #tpu.memory_space<semaphore_mem>>)
          %dma_wait3A = arith.constant 0 : i32
          %dma_wait3A_102 = arith.constant 0 : i32
          %dma_wait3A_103 = tpu.memref_slice %arg3[%add3A_86, %dma_wait3A, %dma_wait3A_102] : memref<3200x2x100xi32, #tpu.memory_space<hbm>> -> memref<1x2x100xi32, #tpu.memory_space<hbm>>
          %dma_wait3A_104 = tpu.memref_squeeze %dma_wait3A_103 : memref<1x2x100xi32, #tpu.memory_space<hbm>> -> memref<2x100xi32, #tpu.memory_space<hbm>>
          %dma_wait3A_105 = arith.constant 0 : i32
          %dma_wait3A_106 = arith.constant 0 : i32
          %dma_wait3A_107 = tpu.memref_slice %arg3[%add3A_86, %dma_wait3A_105, %dma_wait3A_106] : memref<3200x2x100xi32, #tpu.memory_space<hbm>> -> memref<1x2x100xi32, #tpu.memory_space<hbm>>
          %dma_wait3A_108 = tpu.memref_squeeze %dma_wait3A_107 : memref<1x2x100xi32, #tpu.memory_space<hbm>> -> memref<2x100xi32, #tpu.memory_space<hbm>>
          tpu.wait_dma2 semaphore(%run_scoped3A : memref<!tpu.dma_semaphore, #tpu.memory_space<semaphore_mem>>) src(%dma_wait3A_108 : memref<2x100xi32, #tpu.memory_space<hbm>>) dst(%arg6 : memref<2x100xi32, #tpu.memory_space<vmem>>)
          tpu.yield
        }) : () -> ()
        %dma_start3A_87 = arith.constant 0 : i32
        %dma_start3A_88 = arith.constant 0 : i32
        %dma_start3A_89 = tpu.memref_slice %arg6[%dma_start3A_87, %dma_start3A_88] : memref<2x100xi32, #tpu.memory_space<vmem>> -> memref<1x100xi32, #tpu.memory_space<vmem>>
        %dma_start3A_90 = tpu.memref_squeeze %dma_start3A_89 : memref<1x100xi32, #tpu.memory_space<vmem>> -> memref<100xi32, #tpu.memory_space<vmem>>
        %dma_start3A_91 = arith.constant 0 : i32
        %dma_start3A_92 = arith.constant 0 : i32
        %dma_start3A_93 = tpu.memref_slice %arg2[%dma_start3A_91, %dma_start3A_92] : memref<10000x128xf32, #tpu.memory_space<hbm>> -> memref<10000x128xf32, #tpu.memory_space<hbm>>
        tpu.enqueue_indirect_dma source(%dma_start3A_93 : memref<10000x128xf32, #tpu.memory_space<hbm>>) target(%arg9 : memref<100x128xf32, #tpu.memory_space<vmem>>) offsets(%dma_start3A_90 : memref<100xi32, #tpu.memory_space<vmem>>) semaphore(%arg13 : memref<!tpu.dma_semaphore, #tpu.memory_space<semaphore_mem>>)
      } else {
      }
      %add3A_57 = arith.constant 1 : i32
      %add3A_58 = arith.addi %add3A_34, %add3A_57 : i32
      %lt3A_59 = arith.constant 100 : i32
      %lt3A_60 = arith.cmpi slt, %add3A_58, %lt3A_59 : i32
      %convert_element_type3A_61 = arith.extui %lt3A_60 : i1 to i32
      %cond3A_62 = arith.constant 0 : i32
      %cond3A_63 = arith.cmpi ne, %convert_element_type3A_61, %cond3A_62 : i32
      scf.if %cond3A_63 {
        %dma_wait3A = arith.constant 0 : i32
        %dma_wait3A_80 = arith.constant 0 : i32
        %dma_wait3A_81 = tpu.memref_slice %arg7[%dma_wait3A, %dma_wait3A_80] : memref<2x100xi32, #tpu.memory_space<vmem>> -> memref<1x100xi32, #tpu.memory_space<vmem>>
        %dma_wait3A_82 = tpu.memref_squeeze %dma_wait3A_81 : memref<1x100xi32, #tpu.memory_space<vmem>> -> memref<100xi32, #tpu.memory_space<vmem>>
        %dma_wait3A_83 = arith.constant 0 : i32
        %dma_wait3A_84 = arith.constant 0 : i32
        %dma_wait3A_85 = tpu.memref_slice %arg2[%dma_wait3A_83, %dma_wait3A_84] : memref<10000x128xf32, #tpu.memory_space<hbm>> -> memref<10000x128xf32, #tpu.memory_space<hbm>>
        tpu.wait_indirect_dma semaphore(%arg14 : memref<!tpu.dma_semaphore, #tpu.memory_space<semaphore_mem>>) src(%dma_wait3A_85 : memref<10000x128xf32, #tpu.memory_space<hbm>>) dst(%arg10 : memref<100x128xf32, #tpu.memory_space<vmem>>)
        %run_scoped3A = arith.constant 1 : i32
        "tpu.region"() ({
          %run_scoped3A_86 = tpu.sem_alloc : memref<!tpu.dma_semaphore, #tpu.memory_space<semaphore_mem>>
          %dma_start3A_87 = arith.constant 0 : i32
          %dma_start3A_88 = tpu.memref_slice %arg7[%run_scoped3A, %dma_start3A_87] : memref<2x100xi32, #tpu.memory_space<vmem>> -> memref<1x100xi32, #tpu.memory_space<vmem>>
          %dma_start3A_89 = tpu.memref_squeeze %dma_start3A_88 : memref<1x100xi32, #tpu.memory_space<vmem>> -> memref<100xi32, #tpu.memory_space<vmem>>
          %dma_start3A_90 = arith.constant 0 : i32
          %dma_start3A_91 = arith.constant 0 : i32
          %dma_start3A_92 = tpu.memref_slice %arg12[%dma_start3A_90, %dma_start3A_91] : memref<10240x128xf32, #tpu.memory_space<vmem_shared>> -> memref<10240x128xf32, #tpu.memory_space<vmem_shared>>
          tpu.enqueue_indirect_dma source(%arg10 : memref<100x128xf32, #tpu.memory_space<vmem>>) target(%dma_start3A_92 : memref<10240x128xf32, #tpu.memory_space<vmem_shared>>) offsets(%dma_start3A_89 : memref<100xi32, #tpu.memory_space<vmem>>) semaphore(%run_scoped3A_86 : memref<!tpu.dma_semaphore, #tpu.memory_space<semaphore_mem>>) {add = true}
          %dma_wait3A_93 = arith.constant 0 : i32
          %dma_wait3A_94 = tpu.memref_slice %arg7[%run_scoped3A, %dma_wait3A_93] : memref<2x100xi32, #tpu.memory_space<vmem>> -> memref<1x100xi32, #tpu.memory_space<vmem>>
          %dma_wait3A_95 = tpu.memref_squeeze %dma_wait3A_94 : memref<1x100xi32, #tpu.memory_space<vmem>> -> memref<100xi32, #tpu.memory_space<vmem>>
          %dma_wait3A_96 = arith.constant 0 : i32
          %dma_wait3A_97 = arith.constant 0 : i32
          %dma_wait3A_98 = tpu.memref_slice %arg12[%dma_wait3A_96, %dma_wait3A_97] : memref<10240x128xf32, #tpu.memory_space<vmem_shared>> -> memref<10240x128xf32, #tpu.memory_space<vmem_shared>>
          tpu.wait_indirect_dma semaphore(%run_scoped3A_86 : memref<!tpu.dma_semaphore, #tpu.memory_space<semaphore_mem>>) src(%arg10 : memref<100x128xf32, #tpu.memory_space<vmem>>) dst(%dma_wait3A_98 : memref<10240x128xf32, #tpu.memory_space<vmem_shared>>)
          tpu.yield
        }) : () -> ()
      } else {
      }
      %add3A_64 = arith.constant 2 : i32
      %add3A_65 = arith.addi %add3A_34, %add3A_64 : i32
      %add3A_66 = arith.constant 2 : i32
      %add3A_67 = arith.addi %add3A_65, %add3A_66 : i32
      %lt3A_68 = arith.constant 100 : i32
      %lt3A_69 = arith.cmpi slt, %add3A_67, %lt3A_68 : i32
      %convert_element_type3A_70 = arith.extui %lt3A_69 : i1 to i32
      %cond3A_71 = arith.constant 0 : i32
      %cond3A_72 = arith.cmpi ne, %convert_element_type3A_70, %cond3A_71 : i32
      scf.if %cond3A_72 {
        %add3A_80 = arith.constant 2 : i32
        %add3A_81 = arith.addi %add3A_34, %add3A_80 : i32
        %add3A_82 = arith.constant 2 : i32
        %add3A_83 = arith.addi %add3A_81, %add3A_82 : i32
        %mul3A_84 = arith.constant 32 : i32
        %mul3A_85 = arith.muli %mul3A_84, %add3A_83 : i32
        %add3A_86 = arith.addi %add3A, %mul3A_85 : i32
        "tpu.region"() ({
          %run_scoped3A = tpu.sem_alloc : memref<!tpu.dma_semaphore, #tpu.memory_space<semaphore_mem>>
          %dma_start3A_94 = arith.constant 0 : i32
          %dma_start3A_95 = arith.constant 0 : i32
          %dma_start3A_96 = tpu.memref_slice %arg3[%add3A_86, %dma_start3A_94, %dma_start3A_95] : memref<3200x2x100xi32, #tpu.memory_space<hbm>> -> memref<1x2x100xi32, #tpu.memory_space<hbm>>
          %dma_start3A_97 = tpu.memref_squeeze %dma_start3A_96 : memref<1x2x100xi32, #tpu.memory_space<hbm>> -> memref<2x100xi32, #tpu.memory_space<hbm>>
          %dma_start3A_98 = arith.constant 0 : i32
          %dma_start3A_99 = arith.constant 0 : i32
          %dma_start3A_100 = tpu.memref_slice %arg3[%add3A_86, %dma_start3A_98, %dma_start3A_99] : memref<3200x2x100xi32, #tpu.memory_space<hbm>> -> memref<1x2x100xi32, #tpu.memory_space<hbm>>
          %dma_start3A_101 = tpu.memref_squeeze %dma_start3A_100 : memref<1x2x100xi32, #tpu.memory_space<hbm>> -> memref<2x100xi32, #tpu.memory_space<hbm>>
          tpu.enqueue_dma source(%dma_start3A_101 : memref<2x100xi32, #tpu.memory_space<hbm>>) target(%arg7 : memref<2x100xi32, #tpu.memory_space<vmem>>) target_semaphore(%run_scoped3A : memref<!tpu.dma_semaphore, #tpu.memory_space<semaphore_mem>>)
          %dma_wait3A = arith.constant 0 : i32
          %dma_wait3A_102 = arith.constant 0 : i32
          %dma_wait3A_103 = tpu.memref_slice %arg3[%add3A_86, %dma_wait3A, %dma_wait3A_102] : memref<3200x2x100xi32, #tpu.memory_space<hbm>> -> memref<1x2x100xi32, #tpu.memory_space<hbm>>
          %dma_wait3A_104 = tpu.memref_squeeze %dma_wait3A_103 : memref<1x2x100xi32, #tpu.memory_space<hbm>> -> memref<2x100xi32, #tpu.memory_space<hbm>>
          %dma_wait3A_105 = arith.constant 0 : i32
          %dma_wait3A_106 = arith.constant 0 : i32
          %dma_wait3A_107 = tpu.memref_slice %arg3[%add3A_86, %dma_wait3A_105, %dma_wait3A_106] : memref<3200x2x100xi32, #tpu.memory_space<hbm>> -> memref<1x2x100xi32, #tpu.memory_space<hbm>>
          %dma_wait3A_108 = tpu.memref_squeeze %dma_wait3A_107 : memref<1x2x100xi32, #tpu.memory_space<hbm>> -> memref<2x100xi32, #tpu.memory_space<hbm>>
          tpu.wait_dma2 semaphore(%run_scoped3A : memref<!tpu.dma_semaphore, #tpu.memory_space<semaphore_mem>>) src(%dma_wait3A_108 : memref<2x100xi32, #tpu.memory_space<hbm>>) dst(%arg7 : memref<2x100xi32, #tpu.memory_space<vmem>>)
          tpu.yield
        }) : () -> ()
        %dma_start3A_87 = arith.constant 0 : i32
        %dma_start3A_88 = arith.constant 0 : i32
        %dma_start3A_89 = tpu.memref_slice %arg7[%dma_start3A_87, %dma_start3A_88] : memref<2x100xi32, #tpu.memory_space<vmem>> -> memref<1x100xi32, #tpu.memory_space<vmem>>
        %dma_start3A_90 = tpu.memref_squeeze %dma_start3A_89 : memref<1x100xi32, #tpu.memory_space<vmem>> -> memref<100xi32, #tpu.memory_space<vmem>>
        %dma_start3A_91 = arith.constant 0 : i32
        %dma_start3A_92 = arith.constant 0 : i32
        %dma_start3A_93 = tpu.memref_slice %arg2[%dma_start3A_91, %dma_start3A_92] : memref<10000x128xf32, #tpu.memory_space<hbm>> -> memref<10000x128xf32, #tpu.memory_space<hbm>>
        tpu.enqueue_indirect_dma source(%dma_start3A_93 : memref<10000x128xf32, #tpu.memory_space<hbm>>) target(%arg10 : memref<100x128xf32, #tpu.memory_space<vmem>>) offsets(%dma_start3A_90 : memref<100xi32, #tpu.memory_space<vmem>>) semaphore(%arg14 : memref<!tpu.dma_semaphore, #tpu.memory_space<semaphore_mem>>)
      } else {
      }
      %add3A_73 = arith.constant 2 : i32
      %add3A_74 = arith.addi %add3A_34, %add3A_73 : i32
      %lt3A_75 = arith.constant 100 : i32
      %lt3A_76 = arith.cmpi slt, %add3A_74, %lt3A_75 : i32
      %convert_element_type3A_77 = arith.extui %lt3A_76 : i1 to i32
      %cond3A_78 = arith.constant 0 : i32
      %cond3A_79 = arith.cmpi ne, %convert_element_type3A_77, %cond3A_78 : i32
      scf.if %cond3A_79 {
        %dma_wait3A = arith.constant 0 : i32
        %dma_wait3A_80 = arith.constant 0 : i32
        %dma_wait3A_81 = tpu.memref_slice %arg8[%dma_wait3A, %dma_wait3A_80] : memref<2x100xi32, #tpu.memory_space<vmem>> -> memref<1x100xi32, #tpu.memory_space<vmem>>
        %dma_wait3A_82 = tpu.memref_squeeze %dma_wait3A_81 : memref<1x100xi32, #tpu.memory_space<vmem>> -> memref<100xi32, #tpu.memory_space<vmem>>
        %dma_wait3A_83 = arith.constant 0 : i32
        %dma_wait3A_84 = arith.constant 0 : i32
        %dma_wait3A_85 = tpu.memref_slice %arg2[%dma_wait3A_83, %dma_wait3A_84] : memref<10000x128xf32, #tpu.memory_space<hbm>> -> memref<10000x128xf32, #tpu.memory_space<hbm>>
        tpu.wait_indirect_dma semaphore(%arg15 : memref<!tpu.dma_semaphore, #tpu.memory_space<semaphore_mem>>) src(%dma_wait3A_85 : memref<10000x128xf32, #tpu.memory_space<hbm>>) dst(%arg11 : memref<100x128xf32, #tpu.memory_space<vmem>>)
        %run_scoped3A = arith.constant 1 : i32
        "tpu.region"() ({
          %run_scoped3A_86 = tpu.sem_alloc : memref<!tpu.dma_semaphore, #tpu.memory_space<semaphore_mem>>
          %dma_start3A_87 = arith.constant 0 : i32
          %dma_start3A_88 = tpu.memref_slice %arg8[%run_scoped3A, %dma_start3A_87] : memref<2x100xi32, #tpu.memory_space<vmem>> -> memref<1x100xi32, #tpu.memory_space<vmem>>
          %dma_start3A_89 = tpu.memref_squeeze %dma_start3A_88 : memref<1x100xi32, #tpu.memory_space<vmem>> -> memref<100xi32, #tpu.memory_space<vmem>>
          %dma_start3A_90 = arith.constant 0 : i32
          %dma_start3A_91 = arith.constant 0 : i32
          %dma_start3A_92 = tpu.memref_slice %arg12[%dma_start3A_90, %dma_start3A_91] : memref<10240x128xf32, #tpu.memory_space<vmem_shared>> -> memref<10240x128xf32, #tpu.memory_space<vmem_shared>>
          tpu.enqueue_indirect_dma source(%arg11 : memref<100x128xf32, #tpu.memory_space<vmem>>) target(%dma_start3A_92 : memref<10240x128xf32, #tpu.memory_space<vmem_shared>>) offsets(%dma_start3A_89 : memref<100xi32, #tpu.memory_space<vmem>>) semaphore(%run_scoped3A_86 : memref<!tpu.dma_semaphore, #tpu.memory_space<semaphore_mem>>) {add = true}
          %dma_wait3A_93 = arith.constant 0 : i32
          %dma_wait3A_94 = tpu.memref_slice %arg8[%run_scoped3A, %dma_wait3A_93] : memref<2x100xi32, #tpu.memory_space<vmem>> -> memref<1x100xi32, #tpu.memory_space<vmem>>
          %dma_wait3A_95 = tpu.memref_squeeze %dma_wait3A_94 : memref<1x100xi32, #tpu.memory_space<vmem>> -> memref<100xi32, #tpu.memory_space<vmem>>
          %dma_wait3A_96 = arith.constant 0 : i32
          %dma_wait3A_97 = arith.constant 0 : i32
          %dma_wait3A_98 = tpu.memref_slice %arg12[%dma_wait3A_96, %dma_wait3A_97] : memref<10240x128xf32, #tpu.memory_space<vmem_shared>> -> memref<10240x128xf32, #tpu.memory_space<vmem_shared>>
          tpu.wait_indirect_dma semaphore(%run_scoped3A_86 : memref<!tpu.dma_semaphore, #tpu.memory_space<semaphore_mem>>) src(%arg11 : memref<100x128xf32, #tpu.memory_space<vmem>>) dst(%dma_wait3A_98 : memref<10240x128xf32, #tpu.memory_space<vmem_shared>>)
          tpu.yield
        }) : () -> ()
      } else {
      }
    }
    %scan3A_21 = arith.constant 34 : i32
    %barrier3A_22 = arith.constant 0 : index
    tpu.barrier barrier_id(%barrier3A_22)
    %mul3A_23 = arith.constant 640 : i32
    %mul3A_24 = arith.muli %arg1, %mul3A_23 : i32
    %mul3A_25 = arith.constant 10240 : i32
    %mul3A_26 = arith.muli %arg0, %mul3A_25 : i32
    %mul3A_27 = arith.constant 640 : i32
    %mul3A_28 = arith.muli %arg1, %mul3A_27 : i32
    %add3A_29 = arith.addi %mul3A_26, %mul3A_28 : i32
    "tpu.region"() ({
      %run_scoped3A = tpu.sem_alloc : memref<!tpu.dma_semaphore, #tpu.memory_space<semaphore_mem>>
      %dma_start3A_30 = arith.constant 0 : i32
      %dma_start3A_31 = tpu.memref_slice %arg5[%add3A_29, %dma_start3A_30] : memref<20480x128xf32, #tpu.memory_space<hbm>> -> memref<640x128xf32, #tpu.memory_space<hbm>>
      %dma_start3A_32 = arith.constant 0 : i32
      %dma_start3A_33 = tpu.memref_slice %arg12[%mul3A_24, %dma_start3A_32] : memref<10240x128xf32, #tpu.memory_space<vmem_shared>> -> memref<640x128xf32, #tpu.memory_space<vmem_shared>>
      tpu.enqueue_dma source(%dma_start3A_33 : memref<640x128xf32, #tpu.memory_space<vmem_shared>>) target(%dma_start3A_31 : memref<640x128xf32, #tpu.memory_space<hbm>>) target_semaphore(%run_scoped3A : memref<!tpu.dma_semaphore, #tpu.memory_space<semaphore_mem>>)
      %dma_wait3A = arith.constant 0 : i32
      %dma_wait3A_34 = tpu.memref_slice %arg5[%add3A_29, %dma_wait3A] : memref<20480x128xf32, #tpu.memory_space<hbm>> -> memref<640x128xf32, #tpu.memory_space<hbm>>
      %dma_wait3A_35 = arith.constant 0 : i32
      %dma_wait3A_36 = tpu.memref_slice %arg12[%mul3A_24, %dma_wait3A_35] : memref<10240x128xf32, #tpu.memory_space<vmem_shared>> -> memref<640x128xf32, #tpu.memory_space<vmem_shared>>
      tpu.wait_dma2 semaphore(%run_scoped3A : memref<!tpu.dma_semaphore, #tpu.memory_space<semaphore_mem>>) src(%dma_wait3A_36 : memref<640x128xf32, #tpu.memory_space<vmem_shared>>) dst(%dma_wait3A_34 : memref<640x128xf32, #tpu.memory_space<hbm>>)
      tpu.yield
    }) : () -> ()
    return
  }
}

#map = affine_map<(d0, d1) -> (0, 0, 0)>
#map1 = affine_map<(d0, d1) -> (0, 0)>
module attributes {stable_mosaic.version = 14 : i64} {
  func.func @body(%arg0: i32, %arg1: i32, %arg2: memref<3200x2x100xi32, #tpu.memory_space<hbm>>, %arg3: memref<640x128xf32, #tpu.memory_space<hbm>>, %arg4: memref<100x128xf32, #tpu.memory_space<hbm>>, %arg5: memref<20480x128xf32, #tpu.memory_space<hbm>>, %arg6: memref<2x100xi32, #tpu.memory_space<vmem>>, %arg7: memref<2x100xi32, #tpu.memory_space<vmem>>, %arg8: memref<100x128xf32, #tpu.memory_space<vmem>>, %arg9: memref<10240x128xf32, #tpu.memory_space<vmem_shared>>, %arg10: memref<!tpu.dma_semaphore, #tpu.memory_space<semaphore_mem>>) attributes {dimension_semantics = [#tpu.dimension_semantics<core_parallel>, #tpu.dimension_semantics<subcore_parallel>], iteration_bounds = array<i64: 2, 16>, scalar_prefetch = 0 : i64, scratch_operands = 5 : i64, tpu.core_type = #tpu.core_type<sc_vector_subcore>, window_params = [{transform_indices = #map}, {transform_indices = #map1}, {transform_indices = #map1}, {transform_indices = #map1}]} {
    %mul3A = arith.constant 16 : i32
    %mul3A_0 = arith.muli %arg0, %mul3A : i32
    %add3A = arith.addi %mul3A_0, %arg1 : i32
    %mul3A_1 = arith.constant 640 : i32
    %mul3A_2 = arith.muli %arg1, %mul3A_1 : i32
    "tpu.region"() ({
      %run_scoped3A = tpu.sem_alloc : memref<!tpu.dma_semaphore, #tpu.memory_space<semaphore_mem>>
      %dma_start3A = arith.constant 0 : i32
      %dma_start3A_15 = tpu.memref_slice %arg9[%mul3A_2, %dma_start3A] : memref<10240x128xf32, #tpu.memory_space<vmem_shared>> -> memref<640x128xf32, #tpu.memory_space<vmem_shared>>
      tpu.enqueue_dma source(%arg3 : memref<640x128xf32, #tpu.memory_space<hbm>>) target(%dma_start3A_15 : memref<640x128xf32, #tpu.memory_space<vmem_shared>>) target_semaphore(%run_scoped3A : memref<!tpu.dma_semaphore, #tpu.memory_space<semaphore_mem>>)
      %dma_wait3A = arith.constant 0 : i32
      %dma_wait3A_16 = tpu.memref_slice %arg9[%mul3A_2, %dma_wait3A] : memref<10240x128xf32, #tpu.memory_space<vmem_shared>> -> memref<640x128xf32, #tpu.memory_space<vmem_shared>>
      tpu.wait_dma2 semaphore(%run_scoped3A : memref<!tpu.dma_semaphore, #tpu.memory_space<semaphore_mem>>) src(%arg3 : memref<640x128xf32, #tpu.memory_space<hbm>>) dst(%dma_wait3A_16 : memref<640x128xf32, #tpu.memory_space<vmem_shared>>)
      tpu.yield
    }) : () -> ()
    "tpu.region"() ({
      %run_scoped3A = tpu.sem_alloc : memref<!tpu.dma_semaphore, #tpu.memory_space<semaphore_mem>>
      tpu.enqueue_dma source(%arg4 : memref<100x128xf32, #tpu.memory_space<hbm>>) target(%arg8 : memref<100x128xf32, #tpu.memory_space<vmem>>) target_semaphore(%run_scoped3A : memref<!tpu.dma_semaphore, #tpu.memory_space<semaphore_mem>>)
      tpu.wait_dma2 semaphore(%run_scoped3A : memref<!tpu.dma_semaphore, #tpu.memory_space<semaphore_mem>>) src(%arg4 : memref<100x128xf32, #tpu.memory_space<hbm>>) dst(%arg8 : memref<100x128xf32, #tpu.memory_space<vmem>>)
      tpu.yield
    }) : () -> ()
    %barrier3A = arith.constant 0 : index
    tpu.barrier barrier_id(%barrier3A)
    "tpu.region"() ({
      %run_scoped3A = tpu.sem_alloc : memref<!tpu.dma_semaphore, #tpu.memory_space<semaphore_mem>>
      %dma_start3A = arith.constant 0 : i32
      %dma_start3A_15 = arith.constant 0 : i32
      %dma_start3A_16 = tpu.memref_slice %arg2[%add3A, %dma_start3A, %dma_start3A_15] : memref<3200x2x100xi32, #tpu.memory_space<hbm>> -> memref<1x2x100xi32, #tpu.memory_space<hbm>>
      %dma_start3A_17 = tpu.memref_squeeze %dma_start3A_16 : memref<1x2x100xi32, #tpu.memory_space<hbm>> -> memref<2x100xi32, #tpu.memory_space<hbm>>
      %dma_start3A_18 = arith.constant 0 : i32
      %dma_start3A_19 = arith.constant 0 : i32
      %dma_start3A_20 = tpu.memref_slice %arg2[%add3A, %dma_start3A_18, %dma_start3A_19] : memref<3200x2x100xi32, #tpu.memory_space<hbm>> -> memref<1x2x100xi32, #tpu.memory_space<hbm>>
      %dma_start3A_21 = tpu.memref_squeeze %dma_start3A_20 : memref<1x2x100xi32, #tpu.memory_space<hbm>> -> memref<2x100xi32, #tpu.memory_space<hbm>>
      tpu.enqueue_dma source(%dma_start3A_21 : memref<2x100xi32, #tpu.memory_space<hbm>>) target(%arg6 : memref<2x100xi32, #tpu.memory_space<vmem>>) target_semaphore(%run_scoped3A : memref<!tpu.dma_semaphore, #tpu.memory_space<semaphore_mem>>)
      %dma_wait3A = arith.constant 0 : i32
      %dma_wait3A_22 = arith.constant 0 : i32
      %dma_wait3A_23 = tpu.memref_slice %arg2[%add3A, %dma_wait3A, %dma_wait3A_22] : memref<3200x2x100xi32, #tpu.memory_space<hbm>> -> memref<1x2x100xi32, #tpu.memory_space<hbm>>
      %dma_wait3A_24 = tpu.memref_squeeze %dma_wait3A_23 : memref<1x2x100xi32, #tpu.memory_space<hbm>> -> memref<2x100xi32, #tpu.memory_space<hbm>>
      %dma_wait3A_25 = arith.constant 0 : i32
      %dma_wait3A_26 = arith.constant 0 : i32
      %dma_wait3A_27 = tpu.memref_slice %arg2[%add3A, %dma_wait3A_25, %dma_wait3A_26] : memref<3200x2x100xi32, #tpu.memory_space<hbm>> -> memref<1x2x100xi32, #tpu.memory_space<hbm>>
      %dma_wait3A_28 = tpu.memref_squeeze %dma_wait3A_27 : memref<1x2x100xi32, #tpu.memory_space<hbm>> -> memref<2x100xi32, #tpu.memory_space<hbm>>
      tpu.wait_dma2 semaphore(%run_scoped3A : memref<!tpu.dma_semaphore, #tpu.memory_space<semaphore_mem>>) src(%dma_wait3A_28 : memref<2x100xi32, #tpu.memory_space<hbm>>) dst(%arg6 : memref<2x100xi32, #tpu.memory_space<vmem>>)
      tpu.yield
    }) : () -> ()
    %scan3A = arith.constant 0 : i32
    %scan3A_3 = arith.constant 50 : i32
    %scan3A_4 = arith.addi %scan3A, %scan3A_3 : i32
    %scan3A_5 = arith.constant 1 : i32
    scf.for %scan3A_15 = %scan3A to %scan3A_4 step %scan3A_5  : i32 {
      %mul3A_16 = arith.constant 2 : i32
      %mul3A_17 = arith.muli %scan3A_15, %mul3A_16 : i32
      %add3A_18 = arith.constant 0 : i32
      %add3A_19 = arith.addi %add3A_18, %mul3A_17 : i32
      %dma_start3A = arith.constant 1 : i32
      %dma_start3A_20 = arith.constant 0 : i32
      %dma_start3A_21 = tpu.memref_slice %arg6[%dma_start3A, %dma_start3A_20] : memref<2x100xi32, #tpu.memory_space<vmem>> -> memref<1x100xi32, #tpu.memory_space<vmem>>
      %dma_start3A_22 = tpu.memref_squeeze %dma_start3A_21 : memref<1x100xi32, #tpu.memory_space<vmem>> -> memref<100xi32, #tpu.memory_space<vmem>>
      %dma_start3A_23 = arith.constant 0 : i32
      %dma_start3A_24 = arith.constant 0 : i32
      %dma_start3A_25 = tpu.memref_slice %arg9[%dma_start3A_23, %dma_start3A_24] : memref<10240x128xf32, #tpu.memory_space<vmem_shared>> -> memref<10240x128xf32, #tpu.memory_space<vmem_shared>>
      tpu.enqueue_indirect_dma source(%arg8 : memref<100x128xf32, #tpu.memory_space<vmem>>) target(%dma_start3A_25 : memref<10240x128xf32, #tpu.memory_space<vmem_shared>>) offsets(%dma_start3A_22 : memref<100xi32, #tpu.memory_space<vmem>>) semaphore(%arg10 : memref<!tpu.dma_semaphore, #tpu.memory_space<semaphore_mem>>) {add = true}
      %add3A_26 = arith.constant 1 : i32
      %add3A_27 = arith.addi %add3A_19, %add3A_26 : i32
      %mul3A_28 = arith.constant 32 : i32
      %mul3A_29 = arith.muli %mul3A_28, %add3A_27 : i32
      %add3A_30 = arith.addi %add3A, %mul3A_29 : i32
      "tpu.region"() ({
        %run_scoped3A = tpu.sem_alloc : memref<!tpu.dma_semaphore, #tpu.memory_space<semaphore_mem>>
        %dma_start3A_55 = arith.constant 0 : i32
        %dma_start3A_56 = arith.constant 0 : i32
        %dma_start3A_57 = tpu.memref_slice %arg2[%add3A_30, %dma_start3A_55, %dma_start3A_56] : memref<3200x2x100xi32, #tpu.memory_space<hbm>> -> memref<1x2x100xi32, #tpu.memory_space<hbm>>
        %dma_start3A_58 = tpu.memref_squeeze %dma_start3A_57 : memref<1x2x100xi32, #tpu.memory_space<hbm>> -> memref<2x100xi32, #tpu.memory_space<hbm>>
        %dma_start3A_59 = arith.constant 0 : i32
        %dma_start3A_60 = arith.constant 0 : i32
        %dma_start3A_61 = tpu.memref_slice %arg2[%add3A_30, %dma_start3A_59, %dma_start3A_60] : memref<3200x2x100xi32, #tpu.memory_space<hbm>> -> memref<1x2x100xi32, #tpu.memory_space<hbm>>
        %dma_start3A_62 = tpu.memref_squeeze %dma_start3A_61 : memref<1x2x100xi32, #tpu.memory_space<hbm>> -> memref<2x100xi32, #tpu.memory_space<hbm>>
        tpu.enqueue_dma source(%dma_start3A_62 : memref<2x100xi32, #tpu.memory_space<hbm>>) target(%arg7 : memref<2x100xi32, #tpu.memory_space<vmem>>) target_semaphore(%run_scoped3A : memref<!tpu.dma_semaphore, #tpu.memory_space<semaphore_mem>>)
        %dma_wait3A_63 = arith.constant 0 : i32
        %dma_wait3A_64 = arith.constant 0 : i32
        %dma_wait3A_65 = tpu.memref_slice %arg2[%add3A_30, %dma_wait3A_63, %dma_wait3A_64] : memref<3200x2x100xi32, #tpu.memory_space<hbm>> -> memref<1x2x100xi32, #tpu.memory_space<hbm>>
        %dma_wait3A_66 = tpu.memref_squeeze %dma_wait3A_65 : memref<1x2x100xi32, #tpu.memory_space<hbm>> -> memref<2x100xi32, #tpu.memory_space<hbm>>
        %dma_wait3A_67 = arith.constant 0 : i32
        %dma_wait3A_68 = arith.constant 0 : i32
        %dma_wait3A_69 = tpu.memref_slice %arg2[%add3A_30, %dma_wait3A_67, %dma_wait3A_68] : memref<3200x2x100xi32, #tpu.memory_space<hbm>> -> memref<1x2x100xi32, #tpu.memory_space<hbm>>
        %dma_wait3A_70 = tpu.memref_squeeze %dma_wait3A_69 : memref<1x2x100xi32, #tpu.memory_space<hbm>> -> memref<2x100xi32, #tpu.memory_space<hbm>>
        tpu.wait_dma2 semaphore(%run_scoped3A : memref<!tpu.dma_semaphore, #tpu.memory_space<semaphore_mem>>) src(%dma_wait3A_70 : memref<2x100xi32, #tpu.memory_space<hbm>>) dst(%arg7 : memref<2x100xi32, #tpu.memory_space<vmem>>)
        tpu.yield
      }) : () -> ()
      %dma_wait3A = arith.constant 1 : i32
      %dma_wait3A_31 = arith.constant 0 : i32
      %dma_wait3A_32 = tpu.memref_slice %arg6[%dma_wait3A, %dma_wait3A_31] : memref<2x100xi32, #tpu.memory_space<vmem>> -> memref<1x100xi32, #tpu.memory_space<vmem>>
      %dma_wait3A_33 = tpu.memref_squeeze %dma_wait3A_32 : memref<1x100xi32, #tpu.memory_space<vmem>> -> memref<100xi32, #tpu.memory_space<vmem>>
      %dma_wait3A_34 = arith.constant 0 : i32
      %dma_wait3A_35 = arith.constant 0 : i32
      %dma_wait3A_36 = tpu.memref_slice %arg9[%dma_wait3A_34, %dma_wait3A_35] : memref<10240x128xf32, #tpu.memory_space<vmem_shared>> -> memref<10240x128xf32, #tpu.memory_space<vmem_shared>>
      tpu.wait_indirect_dma semaphore(%arg10 : memref<!tpu.dma_semaphore, #tpu.memory_space<semaphore_mem>>) src(%arg8 : memref<100x128xf32, #tpu.memory_space<vmem>>) dst(%dma_wait3A_36 : memref<10240x128xf32, #tpu.memory_space<vmem_shared>>)
      %dma_start3A_37 = arith.constant 1 : i32
      %dma_start3A_38 = arith.constant 0 : i32
      %dma_start3A_39 = tpu.memref_slice %arg7[%dma_start3A_37, %dma_start3A_38] : memref<2x100xi32, #tpu.memory_space<vmem>> -> memref<1x100xi32, #tpu.memory_space<vmem>>
      %dma_start3A_40 = tpu.memref_squeeze %dma_start3A_39 : memref<1x100xi32, #tpu.memory_space<vmem>> -> memref<100xi32, #tpu.memory_space<vmem>>
      %dma_start3A_41 = arith.constant 0 : i32
      %dma_start3A_42 = arith.constant 0 : i32
      %dma_start3A_43 = tpu.memref_slice %arg9[%dma_start3A_41, %dma_start3A_42] : memref<10240x128xf32, #tpu.memory_space<vmem_shared>> -> memref<10240x128xf32, #tpu.memory_space<vmem_shared>>
      tpu.enqueue_indirect_dma source(%arg8 : memref<100x128xf32, #tpu.memory_space<vmem>>) target(%dma_start3A_43 : memref<10240x128xf32, #tpu.memory_space<vmem_shared>>) offsets(%dma_start3A_40 : memref<100xi32, #tpu.memory_space<vmem>>) semaphore(%arg10 : memref<!tpu.dma_semaphore, #tpu.memory_space<semaphore_mem>>) {add = true}
      %add3A_44 = arith.constant 2 : i32
      %add3A_45 = arith.addi %add3A_19, %add3A_44 : i32
      %lt3A = arith.constant 100 : i32
      %lt3A_46 = arith.cmpi slt, %add3A_45, %lt3A : i32
      %convert_element_type3A = arith.extui %lt3A_46 : i1 to i32
      %cond3A = arith.constant 0 : i32
      %cond3A_47 = arith.cmpi ne, %convert_element_type3A, %cond3A : i32
      scf.if %cond3A_47 {
        %add3A_55 = arith.constant 2 : i32
        %add3A_56 = arith.addi %add3A_19, %add3A_55 : i32
        %mul3A_57 = arith.constant 32 : i32
        %mul3A_58 = arith.muli %mul3A_57, %add3A_56 : i32
        %add3A_59 = arith.addi %add3A, %mul3A_58 : i32
        "tpu.region"() ({
          %run_scoped3A = tpu.sem_alloc : memref<!tpu.dma_semaphore, #tpu.memory_space<semaphore_mem>>
          %dma_start3A_60 = arith.constant 0 : i32
          %dma_start3A_61 = arith.constant 0 : i32
          %dma_start3A_62 = tpu.memref_slice %arg2[%add3A_59, %dma_start3A_60, %dma_start3A_61] : memref<3200x2x100xi32, #tpu.memory_space<hbm>> -> memref<1x2x100xi32, #tpu.memory_space<hbm>>
          %dma_start3A_63 = tpu.memref_squeeze %dma_start3A_62 : memref<1x2x100xi32, #tpu.memory_space<hbm>> -> memref<2x100xi32, #tpu.memory_space<hbm>>
          %dma_start3A_64 = arith.constant 0 : i32
          %dma_start3A_65 = arith.constant 0 : i32
          %dma_start3A_66 = tpu.memref_slice %arg2[%add3A_59, %dma_start3A_64, %dma_start3A_65] : memref<3200x2x100xi32, #tpu.memory_space<hbm>> -> memref<1x2x100xi32, #tpu.memory_space<hbm>>
          %dma_start3A_67 = tpu.memref_squeeze %dma_start3A_66 : memref<1x2x100xi32, #tpu.memory_space<hbm>> -> memref<2x100xi32, #tpu.memory_space<hbm>>
          tpu.enqueue_dma source(%dma_start3A_67 : memref<2x100xi32, #tpu.memory_space<hbm>>) target(%arg6 : memref<2x100xi32, #tpu.memory_space<vmem>>) target_semaphore(%run_scoped3A : memref<!tpu.dma_semaphore, #tpu.memory_space<semaphore_mem>>)
          %dma_wait3A_68 = arith.constant 0 : i32
          %dma_wait3A_69 = arith.constant 0 : i32
          %dma_wait3A_70 = tpu.memref_slice %arg2[%add3A_59, %dma_wait3A_68, %dma_wait3A_69] : memref<3200x2x100xi32, #tpu.memory_space<hbm>> -> memref<1x2x100xi32, #tpu.memory_space<hbm>>
          %dma_wait3A_71 = tpu.memref_squeeze %dma_wait3A_70 : memref<1x2x100xi32, #tpu.memory_space<hbm>> -> memref<2x100xi32, #tpu.memory_space<hbm>>
          %dma_wait3A_72 = arith.constant 0 : i32
          %dma_wait3A_73 = arith.constant 0 : i32
          %dma_wait3A_74 = tpu.memref_slice %arg2[%add3A_59, %dma_wait3A_72, %dma_wait3A_73] : memref<3200x2x100xi32, #tpu.memory_space<hbm>> -> memref<1x2x100xi32, #tpu.memory_space<hbm>>
          %dma_wait3A_75 = tpu.memref_squeeze %dma_wait3A_74 : memref<1x2x100xi32, #tpu.memory_space<hbm>> -> memref<2x100xi32, #tpu.memory_space<hbm>>
          tpu.wait_dma2 semaphore(%run_scoped3A : memref<!tpu.dma_semaphore, #tpu.memory_space<semaphore_mem>>) src(%dma_wait3A_75 : memref<2x100xi32, #tpu.memory_space<hbm>>) dst(%arg6 : memref<2x100xi32, #tpu.memory_space<vmem>>)
          tpu.yield
        }) : () -> ()
      } else {
      }
      %dma_wait3A_48 = arith.constant 1 : i32
      %dma_wait3A_49 = arith.constant 0 : i32
      %dma_wait3A_50 = tpu.memref_slice %arg7[%dma_wait3A_48, %dma_wait3A_49] : memref<2x100xi32, #tpu.memory_space<vmem>> -> memref<1x100xi32, #tpu.memory_space<vmem>>
      %dma_wait3A_51 = tpu.memref_squeeze %dma_wait3A_50 : memref<1x100xi32, #tpu.memory_space<vmem>> -> memref<100xi32, #tpu.memory_space<vmem>>
      %dma_wait3A_52 = arith.constant 0 : i32
      %dma_wait3A_53 = arith.constant 0 : i32
      %dma_wait3A_54 = tpu.memref_slice %arg9[%dma_wait3A_52, %dma_wait3A_53] : memref<10240x128xf32, #tpu.memory_space<vmem_shared>> -> memref<10240x128xf32, #tpu.memory_space<vmem_shared>>
      tpu.wait_indirect_dma semaphore(%arg10 : memref<!tpu.dma_semaphore, #tpu.memory_space<semaphore_mem>>) src(%arg8 : memref<100x128xf32, #tpu.memory_space<vmem>>) dst(%dma_wait3A_54 : memref<10240x128xf32, #tpu.memory_space<vmem_shared>>)
    }
    %scan3A_6 = arith.constant 50 : i32
    %barrier3A_7 = arith.constant 0 : index
    tpu.barrier barrier_id(%barrier3A_7)
    %mul3A_8 = arith.constant 640 : i32
    %mul3A_9 = arith.muli %arg1, %mul3A_8 : i32
    %mul3A_10 = arith.constant 10240 : i32
    %mul3A_11 = arith.muli %arg0, %mul3A_10 : i32
    %mul3A_12 = arith.constant 640 : i32
    %mul3A_13 = arith.muli %arg1, %mul3A_12 : i32
    %add3A_14 = arith.addi %mul3A_11, %mul3A_13 : i32
    "tpu.region"() ({
      %run_scoped3A = tpu.sem_alloc : memref<!tpu.dma_semaphore, #tpu.memory_space<semaphore_mem>>
      %dma_start3A = arith.constant 0 : i32
      %dma_start3A_15 = tpu.memref_slice %arg5[%add3A_14, %dma_start3A] : memref<20480x128xf32, #tpu.memory_space<hbm>> -> memref<640x128xf32, #tpu.memory_space<hbm>>
      %dma_start3A_16 = arith.constant 0 : i32
      %dma_start3A_17 = tpu.memref_slice %arg9[%mul3A_9, %dma_start3A_16] : memref<10240x128xf32, #tpu.memory_space<vmem_shared>> -> memref<640x128xf32, #tpu.memory_space<vmem_shared>>
      tpu.enqueue_dma source(%dma_start3A_17 : memref<640x128xf32, #tpu.memory_space<vmem_shared>>) target(%dma_start3A_15 : memref<640x128xf32, #tpu.memory_space<hbm>>) target_semaphore(%run_scoped3A : memref<!tpu.dma_semaphore, #tpu.memory_space<semaphore_mem>>)
      %dma_wait3A = arith.constant 0 : i32
      %dma_wait3A_18 = tpu.memref_slice %arg5[%add3A_14, %dma_wait3A] : memref<20480x128xf32, #tpu.memory_space<hbm>> -> memref<640x128xf32, #tpu.memory_space<hbm>>
      %dma_wait3A_19 = arith.constant 0 : i32
      %dma_wait3A_20 = tpu.memref_slice %arg9[%mul3A_9, %dma_wait3A_19] : memref<10240x128xf32, #tpu.memory_space<vmem_shared>> -> memref<640x128xf32, #tpu.memory_space<vmem_shared>>
      tpu.wait_dma2 semaphore(%run_scoped3A : memref<!tpu.dma_semaphore, #tpu.memory_space<semaphore_mem>>) src(%dma_wait3A_20 : memref<640x128xf32, #tpu.memory_space<vmem_shared>>) dst(%dma_wait3A_18 : memref<640x128xf32, #tpu.memory_space<hbm>>)
      tpu.yield
    }) : () -> ()
    return
  }
}

#map = affine_map<(d0, d1) -> (0, 0)>
#map1 = affine_map<(d0, d1) -> (0, 0, 0)>
module attributes {stable_mosaic.version = 14 : i64} {
  func.func @body(%arg0: i32, %arg1: i32, %arg2: memref<10000x128xf32, #tpu.memory_space<hbm>>, %arg3: memref<3200x2x100xi32, #tpu.memory_space<hbm>>, %arg4: memref<640x128xf32, #tpu.memory_space<hbm>>, %arg5: memref<20480x128xf32, #tpu.memory_space<hbm>>, %arg6: memref<2x100xi32, #tpu.memory_space<vmem>>, %arg7: memref<2x100xi32, #tpu.memory_space<vmem>>, %arg8: memref<2x100xi32, #tpu.memory_space<vmem>>, %arg9: memref<100x128xf32, #tpu.memory_space<vmem>>, %arg10: memref<100x128xf32, #tpu.memory_space<vmem>>, %arg11: memref<100x128xf32, #tpu.memory_space<vmem>>, %arg12: memref<10240x128xf32, #tpu.memory_space<vmem_shared>>, %arg13: memref<!tpu.dma_semaphore, #tpu.memory_space<semaphore_mem>>, %arg14: memref<!tpu.dma_semaphore, #tpu.memory_space<semaphore_mem>>, %arg15: memref<!tpu.dma_semaphore, #tpu.memory_space<semaphore_mem>>) attributes {dimension_semantics = [#tpu.dimension_semantics<core_parallel>, #tpu.dimension_semantics<subcore_parallel>], iteration_bounds = array<i64: 2, 16>, scalar_prefetch = 0 : i64, scratch_operands = 10 : i64, tpu.core_type = #tpu.core_type<sc_vector_subcore>, window_params = [{transform_indices = #map}, {transform_indices = #map1}, {transform_indices = #map}, {transform_indices = #map}]} {
    %mul3A = arith.constant 16 : i32
    %mul3A_0 = arith.muli %arg0, %mul3A : i32
    %add3A = arith.addi %mul3A_0, %arg1 : i32
    %mul3A_1 = arith.constant 640 : i32
    %mul3A_2 = arith.muli %arg1, %mul3A_1 : i32
    "tpu.region"() ({
      %run_scoped3A = tpu.sem_alloc : memref<!tpu.dma_semaphore, #tpu.memory_space<semaphore_mem>>
      %dma_start3A_30 = arith.constant 0 : i32
      %dma_start3A_31 = tpu.memref_slice %arg12[%mul3A_2, %dma_start3A_30] : memref<10240x128xf32, #tpu.memory_space<vmem_shared>> -> memref<640x128xf32, #tpu.memory_space<vmem_shared>>
      tpu.enqueue_dma source(%arg4 : memref<640x128xf32, #tpu.memory_space<hbm>>) target(%dma_start3A_31 : memref<640x128xf32, #tpu.memory_space<vmem_shared>>) target_semaphore(%run_scoped3A : memref<!tpu.dma_semaphore, #tpu.memory_space<semaphore_mem>>)
      %dma_wait3A = arith.constant 0 : i32
      %dma_wait3A_32 = tpu.memref_slice %arg12[%mul3A_2, %dma_wait3A] : memref<10240x128xf32, #tpu.memory_space<vmem_shared>> -> memref<640x128xf32, #tpu.memory_space<vmem_shared>>
      tpu.wait_dma2 semaphore(%run_scoped3A : memref<!tpu.dma_semaphore, #tpu.memory_space<semaphore_mem>>) src(%arg4 : memref<640x128xf32, #tpu.memory_space<hbm>>) dst(%dma_wait3A_32 : memref<640x128xf32, #tpu.memory_space<vmem_shared>>)
      tpu.yield
    }) : () -> ()
    %barrier3A = arith.constant 0 : index
    tpu.barrier barrier_id(%barrier3A)
    "tpu.region"() ({
      %run_scoped3A = tpu.sem_alloc : memref<!tpu.dma_semaphore, #tpu.memory_space<semaphore_mem>>
      %dma_start3A_30 = arith.constant 0 : i32
      %dma_start3A_31 = arith.constant 0 : i32
      %dma_start3A_32 = tpu.memref_slice %arg3[%add3A, %dma_start3A_30, %dma_start3A_31] : memref<3200x2x100xi32, #tpu.memory_space<hbm>> -> memref<1x2x100xi32, #tpu.memory_space<hbm>>
      %dma_start3A_33 = tpu.memref_squeeze %dma_start3A_32 : memref<1x2x100xi32, #tpu.memory_space<hbm>> -> memref<2x100xi32, #tpu.memory_space<hbm>>
      %dma_start3A_34 = arith.constant 0 : i32
      %dma_start3A_35 = arith.constant 0 : i32
      %dma_start3A_36 = tpu.memref_slice %arg3[%add3A, %dma_start3A_34, %dma_start3A_35] : memref<3200x2x100xi32, #tpu.memory_space<hbm>> -> memref<1x2x100xi32, #tpu.memory_space<hbm>>
      %dma_start3A_37 = tpu.memref_squeeze %dma_start3A_36 : memref<1x2x100xi32, #tpu.memory_space<hbm>> -> memref<2x100xi32, #tpu.memory_space<hbm>>
      tpu.enqueue_dma source(%dma_start3A_37 : memref<2x100xi32, #tpu.memory_space<hbm>>) target(%arg6 : memref<2x100xi32, #tpu.memory_space<vmem>>) target_semaphore(%run_scoped3A : memref<!tpu.dma_semaphore, #tpu.memory_space<semaphore_mem>>)
      %dma_wait3A = arith.constant 0 : i32
      %dma_wait3A_38 = arith.constant 0 : i32
      %dma_wait3A_39 = tpu.memref_slice %arg3[%add3A, %dma_wait3A, %dma_wait3A_38] : memref<3200x2x100xi32, #tpu.memory_space<hbm>> -> memref<1x2x100xi32, #tpu.memory_space<hbm>>
      %dma_wait3A_40 = tpu.memref_squeeze %dma_wait3A_39 : memref<1x2x100xi32, #tpu.memory_space<hbm>> -> memref<2x100xi32, #tpu.memory_space<hbm>>
      %dma_wait3A_41 = arith.constant 0 : i32
      %dma_wait3A_42 = arith.constant 0 : i32
      %dma_wait3A_43 = tpu.memref_slice %arg3[%add3A, %dma_wait3A_41, %dma_wait3A_42] : memref<3200x2x100xi32, #tpu.memory_space<hbm>> -> memref<1x2x100xi32, #tpu.memory_space<hbm>>
      %dma_wait3A_44 = tpu.memref_squeeze %dma_wait3A_43 : memref<1x2x100xi32, #tpu.memory_space<hbm>> -> memref<2x100xi32, #tpu.memory_space<hbm>>
      tpu.wait_dma2 semaphore(%run_scoped3A : memref<!tpu.dma_semaphore, #tpu.memory_space<semaphore_mem>>) src(%dma_wait3A_44 : memref<2x100xi32, #tpu.memory_space<hbm>>) dst(%arg6 : memref<2x100xi32, #tpu.memory_space<vmem>>)
      tpu.yield
    }) : () -> ()
    %dma_start3A = arith.constant 0 : i32
    %dma_start3A_3 = arith.constant 0 : i32
    %dma_start3A_4 = tpu.memref_slice %arg6[%dma_start3A, %dma_start3A_3] : memref<2x100xi32, #tpu.memory_space<vmem>> -> memref<1x100xi32, #tpu.memory_space<vmem>>
    %dma_start3A_5 = tpu.memref_squeeze %dma_start3A_4 : memref<1x100xi32, #tpu.memory_space<vmem>> -> memref<100xi32, #tpu.memory_space<vmem>>
    %dma_start3A_6 = arith.constant 0 : i32
    %dma_start3A_7 = arith.constant 0 : i32
    %dma_start3A_8 = tpu.memref_slice %arg2[%dma_start3A_6, %dma_start3A_7] : memref<10000x128xf32, #tpu.memory_space<hbm>> -> memref<10000x128xf32, #tpu.memory_space<hbm>>
    tpu.enqueue_indirect_dma source(%dma_start3A_8 : memref<10000x128xf32, #tpu.memory_space<hbm>>) target(%arg9 : memref<100x128xf32, #tpu.memory_space<vmem>>) offsets(%dma_start3A_5 : memref<100xi32, #tpu.memory_space<vmem>>) semaphore(%arg13 : memref<!tpu.dma_semaphore, #tpu.memory_space<semaphore_mem>>)
    %add3A_9 = arith.constant 32 : i32
    %add3A_10 = arith.addi %add3A, %add3A_9 : i32
    "tpu.region"() ({
      %run_scoped3A = tpu.sem_alloc : memref<!tpu.dma_semaphore, #tpu.memory_space<semaphore_mem>>
      %dma_start3A_30 = arith.constant 0 : i32
      %dma_start3A_31 = arith.constant 0 : i32
      %dma_start3A_32 = tpu.memref_slice %arg3[%add3A_10, %dma_start3A_30, %dma_start3A_31] : memref<3200x2x100xi32, #tpu.memory_space<hbm>> -> memref<1x2x100xi32, #tpu.memory_space<hbm>>
      %dma_start3A_33 = tpu.memref_squeeze %dma_start3A_32 : memref<1x2x100xi32, #tpu.memory_space<hbm>> -> memref<2x100xi32, #tpu.memory_space<hbm>>
      %dma_start3A_34 = arith.constant 0 : i32
      %dma_start3A_35 = arith.constant 0 : i32
      %dma_start3A_36 = tpu.memref_slice %arg3[%add3A_10, %dma_start3A_34, %dma_start3A_35] : memref<3200x2x100xi32, #tpu.memory_space<hbm>> -> memref<1x2x100xi32, #tpu.memory_space<hbm>>
      %dma_start3A_37 = tpu.memref_squeeze %dma_start3A_36 : memref<1x2x100xi32, #tpu.memory_space<hbm>> -> memref<2x100xi32, #tpu.memory_space<hbm>>
      tpu.enqueue_dma source(%dma_start3A_37 : memref<2x100xi32, #tpu.memory_space<hbm>>) target(%arg7 : memref<2x100xi32, #tpu.memory_space<vmem>>) target_semaphore(%run_scoped3A : memref<!tpu.dma_semaphore, #tpu.memory_space<semaphore_mem>>)
      %dma_wait3A = arith.constant 0 : i32
      %dma_wait3A_38 = arith.constant 0 : i32
      %dma_wait3A_39 = tpu.memref_slice %arg3[%add3A_10, %dma_wait3A, %dma_wait3A_38] : memref<3200x2x100xi32, #tpu.memory_space<hbm>> -> memref<1x2x100xi32, #tpu.memory_space<hbm>>
      %dma_wait3A_40 = tpu.memref_squeeze %dma_wait3A_39 : memref<1x2x100xi32, #tpu.memory_space<hbm>> -> memref<2x100xi32, #tpu.memory_space<hbm>>
      %dma_wait3A_41 = arith.constant 0 : i32
      %dma_wait3A_42 = arith.constant 0 : i32
      %dma_wait3A_43 = tpu.memref_slice %arg3[%add3A_10, %dma_wait3A_41, %dma_wait3A_42] : memref<3200x2x100xi32, #tpu.memory_space<hbm>> -> memref<1x2x100xi32, #tpu.memory_space<hbm>>
      %dma_wait3A_44 = tpu.memref_squeeze %dma_wait3A_43 : memref<1x2x100xi32, #tpu.memory_space<hbm>> -> memref<2x100xi32, #tpu.memory_space<hbm>>
      tpu.wait_dma2 semaphore(%run_scoped3A : memref<!tpu.dma_semaphore, #tpu.memory_space<semaphore_mem>>) src(%dma_wait3A_44 : memref<2x100xi32, #tpu.memory_space<hbm>>) dst(%arg7 : memref<2x100xi32, #tpu.memory_space<vmem>>)
      tpu.yield
    }) : () -> ()
    %dma_start3A_11 = arith.constant 0 : i32
    %dma_start3A_12 = arith.constant 0 : i32
    %dma_start3A_13 = tpu.memref_slice %arg7[%dma_start3A_11, %dma_start3A_12] : memref<2x100xi32, #tpu.memory_space<vmem>> -> memref<1x100xi32, #tpu.memory_space<vmem>>
    %dma_start3A_14 = tpu.memref_squeeze %dma_start3A_13 : memref<1x100xi32, #tpu.memory_space<vmem>> -> memref<100xi32, #tpu.memory_space<vmem>>
    %dma_start3A_15 = arith.constant 0 : i32
    %dma_start3A_16 = arith.constant 0 : i32
    %dma_start3A_17 = tpu.memref_slice %arg2[%dma_start3A_15, %dma_start3A_16] : memref<10000x128xf32, #tpu.memory_space<hbm>> -> memref<10000x128xf32, #tpu.memory_space<hbm>>
    tpu.enqueue_indirect_dma source(%dma_start3A_17 : memref<10000x128xf32, #tpu.memory_space<hbm>>) target(%arg10 : memref<100x128xf32, #tpu.memory_space<vmem>>) offsets(%dma_start3A_14 : memref<100xi32, #tpu.memory_space<vmem>>) semaphore(%arg14 : memref<!tpu.dma_semaphore, #tpu.memory_space<semaphore_mem>>)
    %scan3A = arith.constant 0 : i32
    %scan3A_18 = arith.constant 34 : i32
    %scan3A_19 = arith.addi %scan3A, %scan3A_18 : i32
    %scan3A_20 = arith.constant 1 : i32
    scf.for %scan3A_30 = %scan3A to %scan3A_19 step %scan3A_20  : i32 {
      %mul3A_31 = arith.constant 3 : i32
      %mul3A_32 = arith.muli %scan3A_30, %mul3A_31 : i32
      %add3A_33 = arith.constant 0 : i32
      %add3A_34 = arith.addi %add3A_33, %mul3A_32 : i32
      %add3A_35 = arith.constant 0 : i32
      %add3A_36 = arith.addi %add3A_34, %add3A_35 : i32
      %add3A_37 = arith.constant 2 : i32
      %add3A_38 = arith.addi %add3A_36, %add3A_37 : i32
      %lt3A = arith.constant 100 : i32
      %lt3A_39 = arith.cmpi slt, %add3A_38, %lt3A : i32
      %convert_element_type3A = arith.extui %lt3A_39 : i1 to i32
      %cond3A = arith.constant 0 : i32
      %cond3A_40 = arith.cmpi ne, %convert_element_type3A, %cond3A : i32
      scf.if %cond3A_40 {
        %add3A_80 = arith.constant 0 : i32
        %add3A_81 = arith.addi %add3A_34, %add3A_80 : i32
        %add3A_82 = arith.constant 2 : i32
        %add3A_83 = arith.addi %add3A_81, %add3A_82 : i32
        %mul3A_84 = arith.constant 32 : i32
        %mul3A_85 = arith.muli %mul3A_84, %add3A_83 : i32
        %add3A_86 = arith.addi %add3A, %mul3A_85 : i32
        "tpu.region"() ({
          %run_scoped3A = tpu.sem_alloc : memref<!tpu.dma_semaphore, #tpu.memory_space<semaphore_mem>>
          %dma_start3A_94 = arith.constant 0 : i32
          %dma_start3A_95 = arith.constant 0 : i32
          %dma_start3A_96 = tpu.memref_slice %arg3[%add3A_86, %dma_start3A_94, %dma_start3A_95] : memref<3200x2x100xi32, #tpu.memory_space<hbm>> -> memref<1x2x100xi32, #tpu.memory_space<hbm>>
          %dma_start3A_97 = tpu.memref_squeeze %dma_start3A_96 : memref<1x2x100xi32, #tpu.memory_space<hbm>> -> memref<2x100xi32, #tpu.memory_space<hbm>>
          %dma_start3A_98 = arith.constant 0 : i32
          %dma_start3A_99 = arith.constant 0 : i32
          %dma_start3A_100 = tpu.memref_slice %arg3[%add3A_86, %dma_start3A_98, %dma_start3A_99] : memref<3200x2x100xi32, #tpu.memory_space<hbm>> -> memref<1x2x100xi32, #tpu.memory_space<hbm>>
          %dma_start3A_101 = tpu.memref_squeeze %dma_start3A_100 : memref<1x2x100xi32, #tpu.memory_space<hbm>> -> memref<2x100xi32, #tpu.memory_space<hbm>>
          tpu.enqueue_dma source(%dma_start3A_101 : memref<2x100xi32, #tpu.memory_space<hbm>>) target(%arg8 : memref<2x100xi32, #tpu.memory_space<vmem>>) target_semaphore(%run_scoped3A : memref<!tpu.dma_semaphore, #tpu.memory_space<semaphore_mem>>)
          %dma_wait3A = arith.constant 0 : i32
          %dma_wait3A_102 = arith.constant 0 : i32
          %dma_wait3A_103 = tpu.memref_slice %arg3[%add3A_86, %dma_wait3A, %dma_wait3A_102] : memref<3200x2x100xi32, #tpu.memory_space<hbm>> -> memref<1x2x100xi32, #tpu.memory_space<hbm>>
          %dma_wait3A_104 = tpu.memref_squeeze %dma_wait3A_103 : memref<1x2x100xi32, #tpu.memory_space<hbm>> -> memref<2x100xi32, #tpu.memory_space<hbm>>
          %dma_wait3A_105 = arith.constant 0 : i32
          %dma_wait3A_106 = arith.constant 0 : i32
          %dma_wait3A_107 = tpu.memref_slice %arg3[%add3A_86, %dma_wait3A_105, %dma_wait3A_106] : memref<3200x2x100xi32, #tpu.memory_space<hbm>> -> memref<1x2x100xi32, #tpu.memory_space<hbm>>
          %dma_wait3A_108 = tpu.memref_squeeze %dma_wait3A_107 : memref<1x2x100xi32, #tpu.memory_space<hbm>> -> memref<2x100xi32, #tpu.memory_space<hbm>>
          tpu.wait_dma2 semaphore(%run_scoped3A : memref<!tpu.dma_semaphore, #tpu.memory_space<semaphore_mem>>) src(%dma_wait3A_108 : memref<2x100xi32, #tpu.memory_space<hbm>>) dst(%arg8 : memref<2x100xi32, #tpu.memory_space<vmem>>)
          tpu.yield
        }) : () -> ()
        %dma_start3A_87 = arith.constant 0 : i32
        %dma_start3A_88 = arith.constant 0 : i32
        %dma_start3A_89 = tpu.memref_slice %arg8[%dma_start3A_87, %dma_start3A_88] : memref<2x100xi32, #tpu.memory_space<vmem>> -> memref<1x100xi32, #tpu.memory_space<vmem>>
        %dma_start3A_90 = tpu.memref_squeeze %dma_start3A_89 : memref<1x100xi32, #tpu.memory_space<vmem>> -> memref<100xi32, #tpu.memory_space<vmem>>
        %dma_start3A_91 = arith.constant 0 : i32
        %dma_start3A_92 = arith.constant 0 : i32
        %dma_start3A_93 = tpu.memref_slice %arg2[%dma_start3A_91, %dma_start3A_92] : memref<10000x128xf32, #tpu.memory_space<hbm>> -> memref<10000x128xf32, #tpu.memory_space<hbm>>
        tpu.enqueue_indirect_dma source(%dma_start3A_93 : memref<10000x128xf32, #tpu.memory_space<hbm>>) target(%arg11 : memref<100x128xf32, #tpu.memory_space<vmem>>) offsets(%dma_start3A_90 : memref<100xi32, #tpu.memory_space<vmem>>) semaphore(%arg15 : memref<!tpu.dma_semaphore, #tpu.memory_space<semaphore_mem>>)
      } else {
      }
      %add3A_41 = arith.constant 0 : i32
      %add3A_42 = arith.addi %add3A_34, %add3A_41 : i32
      %lt3A_43 = arith.constant 100 : i32
      %lt3A_44 = arith.cmpi slt, %add3A_42, %lt3A_43 : i32
      %convert_element_type3A_45 = arith.extui %lt3A_44 : i1 to i32
      %cond3A_46 = arith.constant 0 : i32
      %cond3A_47 = arith.cmpi ne, %convert_element_type3A_45, %cond3A_46 : i32
      scf.if %cond3A_47 {
        %dma_wait3A = arith.constant 0 : i32
        %dma_wait3A_80 = arith.constant 0 : i32
        %dma_wait3A_81 = tpu.memref_slice %arg6[%dma_wait3A, %dma_wait3A_80] : memref<2x100xi32, #tpu.memory_space<vmem>> -> memref<1x100xi32, #tpu.memory_space<vmem>>
        %dma_wait3A_82 = tpu.memref_squeeze %dma_wait3A_81 : memref<1x100xi32, #tpu.memory_space<vmem>> -> memref<100xi32, #tpu.memory_space<vmem>>
        %dma_wait3A_83 = arith.constant 0 : i32
        %dma_wait3A_84 = arith.constant 0 : i32
        %dma_wait3A_85 = tpu.memref_slice %arg2[%dma_wait3A_83, %dma_wait3A_84] : memref<10000x128xf32, #tpu.memory_space<hbm>> -> memref<10000x128xf32, #tpu.memory_space<hbm>>
        tpu.wait_indirect_dma semaphore(%arg13 : memref<!tpu.dma_semaphore, #tpu.memory_space<semaphore_mem>>) src(%dma_wait3A_85 : memref<10000x128xf32, #tpu.memory_space<hbm>>) dst(%arg9 : memref<100x128xf32, #tpu.memory_space<vmem>>)
        %run_scoped3A = arith.constant 1 : i32
        "tpu.region"() ({
          %run_scoped3A_86 = tpu.sem_alloc : memref<!tpu.dma_semaphore, #tpu.memory_space<semaphore_mem>>
          %dma_start3A_87 = arith.constant 0 : i32
          %dma_start3A_88 = tpu.memref_slice %arg6[%run_scoped3A, %dma_start3A_87] : memref<2x100xi32, #tpu.memory_space<vmem>> -> memref<1x100xi32, #tpu.memory_space<vmem>>
          %dma_start3A_89 = tpu.memref_squeeze %dma_start3A_88 : memref<1x100xi32, #tpu.memory_space<vmem>> -> memref<100xi32, #tpu.memory_space<vmem>>
          %dma_start3A_90 = arith.constant 0 : i32
          %dma_start3A_91 = arith.constant 0 : i32
          %dma_start3A_92 = tpu.memref_slice %arg12[%dma_start3A_90, %dma_start3A_91] : memref<10240x128xf32, #tpu.memory_space<vmem_shared>> -> memref<10240x128xf32, #tpu.memory_space<vmem_shared>>
          tpu.enqueue_indirect_dma source(%arg9 : memref<100x128xf32, #tpu.memory_space<vmem>>) target(%dma_start3A_92 : memref<10240x128xf32, #tpu.memory_space<vmem_shared>>) offsets(%dma_start3A_89 : memref<100xi32, #tpu.memory_space<vmem>>) semaphore(%run_scoped3A_86 : memref<!tpu.dma_semaphore, #tpu.memory_space<semaphore_mem>>) {add = true}
          %dma_wait3A_93 = arith.constant 0 : i32
          %dma_wait3A_94 = tpu.memref_slice %arg6[%run_scoped3A, %dma_wait3A_93] : memref<2x100xi32, #tpu.memory_space<vmem>> -> memref<1x100xi32, #tpu.memory_space<vmem>>
          %dma_wait3A_95 = tpu.memref_squeeze %dma_wait3A_94 : memref<1x100xi32, #tpu.memory_space<vmem>> -> memref<100xi32, #tpu.memory_space<vmem>>
          %dma_wait3A_96 = arith.constant 0 : i32
          %dma_wait3A_97 = arith.constant 0 : i32
          %dma_wait3A_98 = tpu.memref_slice %arg12[%dma_wait3A_96, %dma_wait3A_97] : memref<10240x128xf32, #tpu.memory_space<vmem_shared>> -> memref<10240x128xf32, #tpu.memory_space<vmem_shared>>
          tpu.wait_indirect_dma semaphore(%run_scoped3A_86 : memref<!tpu.dma_semaphore, #tpu.memory_space<semaphore_mem>>) src(%arg9 : memref<100x128xf32, #tpu.memory_space<vmem>>) dst(%dma_wait3A_98 : memref<10240x128xf32, #tpu.memory_space<vmem_shared>>)
          tpu.yield
        }) : () -> ()
      } else {
      }
      %add3A_48 = arith.constant 1 : i32
      %add3A_49 = arith.addi %add3A_34, %add3A_48 : i32
      %add3A_50 = arith.constant 2 : i32
      %add3A_51 = arith.addi %add3A_49, %add3A_50 : i32
      %lt3A_52 = arith.constant 100 : i32
      %lt3A_53 = arith.cmpi slt, %add3A_51, %lt3A_52 : i32
      %convert_element_type3A_54 = arith.extui %lt3A_53 : i1 to i32
      %cond3A_55 = arith.constant 0 : i32
      %cond3A_56 = arith.cmpi ne, %convert_element_type3A_54, %cond3A_55 : i32
      scf.if %cond3A_56 {
        %add3A_80 = arith.constant 1 : i32
        %add3A_81 = arith.addi %add3A_34, %add3A_80 : i32
        %add3A_82 = arith.constant 2 : i32
        %add3A_83 = arith.addi %add3A_81, %add3A_82 : i32
        %mul3A_84 = arith.constant 32 : i32
        %mul3A_85 = arith.muli %mul3A_84, %add3A_83 : i32
        %add3A_86 = arith.addi %add3A, %mul3A_85 : i32
        "tpu.region"() ({
          %run_scoped3A = tpu.sem_alloc : memref<!tpu.dma_semaphore, #tpu.memory_space<semaphore_mem>>
          %dma_start3A_94 = arith.constant 0 : i32
          %dma_start3A_95 = arith.constant 0 : i32
          %dma_start3A_96 = tpu.memref_slice %arg3[%add3A_86, %dma_start3A_94, %dma_start3A_95] : memref<3200x2x100xi32, #tpu.memory_space<hbm>> -> memref<1x2x100xi32, #tpu.memory_space<hbm>>
          %dma_start3A_97 = tpu.memref_squeeze %dma_start3A_96 : memref<1x2x100xi32, #tpu.memory_space<hbm>> -> memref<2x100xi32, #tpu.memory_space<hbm>>
          %dma_start3A_98 = arith.constant 0 : i32
          %dma_start3A_99 = arith.constant 0 : i32
          %dma_start3A_100 = tpu.memref_slice %arg3[%add3A_86, %dma_start3A_98, %dma_start3A_99] : memref<3200x2x100xi32, #tpu.memory_space<hbm>> -> memref<1x2x100xi32, #tpu.memory_space<hbm>>
          %dma_start3A_101 = tpu.memref_squeeze %dma_start3A_100 : memref<1x2x100xi32, #tpu.memory_space<hbm>> -> memref<2x100xi32, #tpu.memory_space<hbm>>
          tpu.enqueue_dma source(%dma_start3A_101 : memref<2x100xi32, #tpu.memory_space<hbm>>) target(%arg6 : memref<2x100xi32, #tpu.memory_space<vmem>>) target_semaphore(%run_scoped3A : memref<!tpu.dma_semaphore, #tpu.memory_space<semaphore_mem>>)
          %dma_wait3A = arith.constant 0 : i32
          %dma_wait3A_102 = arith.constant 0 : i32
          %dma_wait3A_103 = tpu.memref_slice %arg3[%add3A_86, %dma_wait3A, %dma_wait3A_102] : memref<3200x2x100xi32, #tpu.memory_space<hbm>> -> memref<1x2x100xi32, #tpu.memory_space<hbm>>
          %dma_wait3A_104 = tpu.memref_squeeze %dma_wait3A_103 : memref<1x2x100xi32, #tpu.memory_space<hbm>> -> memref<2x100xi32, #tpu.memory_space<hbm>>
          %dma_wait3A_105 = arith.constant 0 : i32
          %dma_wait3A_106 = arith.constant 0 : i32
          %dma_wait3A_107 = tpu.memref_slice %arg3[%add3A_86, %dma_wait3A_105, %dma_wait3A_106] : memref<3200x2x100xi32, #tpu.memory_space<hbm>> -> memref<1x2x100xi32, #tpu.memory_space<hbm>>
          %dma_wait3A_108 = tpu.memref_squeeze %dma_wait3A_107 : memref<1x2x100xi32, #tpu.memory_space<hbm>> -> memref<2x100xi32, #tpu.memory_space<hbm>>
          tpu.wait_dma2 semaphore(%run_scoped3A : memref<!tpu.dma_semaphore, #tpu.memory_space<semaphore_mem>>) src(%dma_wait3A_108 : memref<2x100xi32, #tpu.memory_space<hbm>>) dst(%arg6 : memref<2x100xi32, #tpu.memory_space<vmem>>)
          tpu.yield
        }) : () -> ()
        %dma_start3A_87 = arith.constant 0 : i32
        %dma_start3A_88 = arith.constant 0 : i32
        %dma_start3A_89 = tpu.memref_slice %arg6[%dma_start3A_87, %dma_start3A_88] : memref<2x100xi32, #tpu.memory_space<vmem>> -> memref<1x100xi32, #tpu.memory_space<vmem>>
        %dma_start3A_90 = tpu.memref_squeeze %dma_start3A_89 : memref<1x100xi32, #tpu.memory_space<vmem>> -> memref<100xi32, #tpu.memory_space<vmem>>
        %dma_start3A_91 = arith.constant 0 : i32
        %dma_start3A_92 = arith.constant 0 : i32
        %dma_start3A_93 = tpu.memref_slice %arg2[%dma_start3A_91, %dma_start3A_92] : memref<10000x128xf32, #tpu.memory_space<hbm>> -> memref<10000x128xf32, #tpu.memory_space<hbm>>
        tpu.enqueue_indirect_dma source(%dma_start3A_93 : memref<10000x128xf32, #tpu.memory_space<hbm>>) target(%arg9 : memref<100x128xf32, #tpu.memory_space<vmem>>) offsets(%dma_start3A_90 : memref<100xi32, #tpu.memory_space<vmem>>) semaphore(%arg13 : memref<!tpu.dma_semaphore, #tpu.memory_space<semaphore_mem>>)
      } else {
      }
      %add3A_57 = arith.constant 1 : i32
      %add3A_58 = arith.addi %add3A_34, %add3A_57 : i32
      %lt3A_59 = arith.constant 100 : i32
      %lt3A_60 = arith.cmpi slt, %add3A_58, %lt3A_59 : i32
      %convert_element_type3A_61 = arith.extui %lt3A_60 : i1 to i32
      %cond3A_62 = arith.constant 0 : i32
      %cond3A_63 = arith.cmpi ne, %convert_element_type3A_61, %cond3A_62 : i32
      scf.if %cond3A_63 {
        %dma_wait3A = arith.constant 0 : i32
        %dma_wait3A_80 = arith.constant 0 : i32
        %dma_wait3A_81 = tpu.memref_slice %arg7[%dma_wait3A, %dma_wait3A_80] : memref<2x100xi32, #tpu.memory_space<vmem>> -> memref<1x100xi32, #tpu.memory_space<vmem>>
        %dma_wait3A_82 = tpu.memref_squeeze %dma_wait3A_81 : memref<1x100xi32, #tpu.memory_space<vmem>> -> memref<100xi32, #tpu.memory_space<vmem>>
        %dma_wait3A_83 = arith.constant 0 : i32
        %dma_wait3A_84 = arith.constant 0 : i32
        %dma_wait3A_85 = tpu.memref_slice %arg2[%dma_wait3A_83, %dma_wait3A_84] : memref<10000x128xf32, #tpu.memory_space<hbm>> -> memref<10000x128xf32, #tpu.memory_space<hbm>>
        tpu.wait_indirect_dma semaphore(%arg14 : memref<!tpu.dma_semaphore, #tpu.memory_space<semaphore_mem>>) src(%dma_wait3A_85 : memref<10000x128xf32, #tpu.memory_space<hbm>>) dst(%arg10 : memref<100x128xf32, #tpu.memory_space<vmem>>)
        %run_scoped3A = arith.constant 1 : i32
        "tpu.region"() ({
          %run_scoped3A_86 = tpu.sem_alloc : memref<!tpu.dma_semaphore, #tpu.memory_space<semaphore_mem>>
          %dma_start3A_87 = arith.constant 0 : i32
          %dma_start3A_88 = tpu.memref_slice %arg7[%run_scoped3A, %dma_start3A_87] : memref<2x100xi32, #tpu.memory_space<vmem>> -> memref<1x100xi32, #tpu.memory_space<vmem>>
          %dma_start3A_89 = tpu.memref_squeeze %dma_start3A_88 : memref<1x100xi32, #tpu.memory_space<vmem>> -> memref<100xi32, #tpu.memory_space<vmem>>
          %dma_start3A_90 = arith.constant 0 : i32
          %dma_start3A_91 = arith.constant 0 : i32
          %dma_start3A_92 = tpu.memref_slice %arg12[%dma_start3A_90, %dma_start3A_91] : memref<10240x128xf32, #tpu.memory_space<vmem_shared>> -> memref<10240x128xf32, #tpu.memory_space<vmem_shared>>
          tpu.enqueue_indirect_dma source(%arg10 : memref<100x128xf32, #tpu.memory_space<vmem>>) target(%dma_start3A_92 : memref<10240x128xf32, #tpu.memory_space<vmem_shared>>) offsets(%dma_start3A_89 : memref<100xi32, #tpu.memory_space<vmem>>) semaphore(%run_scoped3A_86 : memref<!tpu.dma_semaphore, #tpu.memory_space<semaphore_mem>>) {add = true}
          %dma_wait3A_93 = arith.constant 0 : i32
          %dma_wait3A_94 = tpu.memref_slice %arg7[%run_scoped3A, %dma_wait3A_93] : memref<2x100xi32, #tpu.memory_space<vmem>> -> memref<1x100xi32, #tpu.memory_space<vmem>>
          %dma_wait3A_95 = tpu.memref_squeeze %dma_wait3A_94 : memref<1x100xi32, #tpu.memory_space<vmem>> -> memref<100xi32, #tpu.memory_space<vmem>>
          %dma_wait3A_96 = arith.constant 0 : i32
          %dma_wait3A_97 = arith.constant 0 : i32
          %dma_wait3A_98 = tpu.memref_slice %arg12[%dma_wait3A_96, %dma_wait3A_97] : memref<10240x128xf32, #tpu.memory_space<vmem_shared>> -> memref<10240x128xf32, #tpu.memory_space<vmem_shared>>
          tpu.wait_indirect_dma semaphore(%run_scoped3A_86 : memref<!tpu.dma_semaphore, #tpu.memory_space<semaphore_mem>>) src(%arg10 : memref<100x128xf32, #tpu.memory_space<vmem>>) dst(%dma_wait3A_98 : memref<10240x128xf32, #tpu.memory_space<vmem_shared>>)
          tpu.yield
        }) : () -> ()
      } else {
      }
      %add3A_64 = arith.constant 2 : i32
      %add3A_65 = arith.addi %add3A_34, %add3A_64 : i32
      %add3A_66 = arith.constant 2 : i32
      %add3A_67 = arith.addi %add3A_65, %add3A_66 : i32
      %lt3A_68 = arith.constant 100 : i32
      %lt3A_69 = arith.cmpi slt, %add3A_67, %lt3A_68 : i32
      %convert_element_type3A_70 = arith.extui %lt3A_69 : i1 to i32
      %cond3A_71 = arith.constant 0 : i32
      %cond3A_72 = arith.cmpi ne, %convert_element_type3A_70, %cond3A_71 : i32
      scf.if %cond3A_72 {
        %add3A_80 = arith.constant 2 : i32
        %add3A_81 = arith.addi %add3A_34, %add3A_80 : i32
        %add3A_82 = arith.constant 2 : i32
        %add3A_83 = arith.addi %add3A_81, %add3A_82 : i32
        %mul3A_84 = arith.constant 32 : i32
        %mul3A_85 = arith.muli %mul3A_84, %add3A_83 : i32
        %add3A_86 = arith.addi %add3A, %mul3A_85 : i32
        "tpu.region"() ({
          %run_scoped3A = tpu.sem_alloc : memref<!tpu.dma_semaphore, #tpu.memory_space<semaphore_mem>>
          %dma_start3A_94 = arith.constant 0 : i32
          %dma_start3A_95 = arith.constant 0 : i32
          %dma_start3A_96 = tpu.memref_slice %arg3[%add3A_86, %dma_start3A_94, %dma_start3A_95] : memref<3200x2x100xi32, #tpu.memory_space<hbm>> -> memref<1x2x100xi32, #tpu.memory_space<hbm>>
          %dma_start3A_97 = tpu.memref_squeeze %dma_start3A_96 : memref<1x2x100xi32, #tpu.memory_space<hbm>> -> memref<2x100xi32, #tpu.memory_space<hbm>>
          %dma_start3A_98 = arith.constant 0 : i32
          %dma_start3A_99 = arith.constant 0 : i32
          %dma_start3A_100 = tpu.memref_slice %arg3[%add3A_86, %dma_start3A_98, %dma_start3A_99] : memref<3200x2x100xi32, #tpu.memory_space<hbm>> -> memref<1x2x100xi32, #tpu.memory_space<hbm>>
          %dma_start3A_101 = tpu.memref_squeeze %dma_start3A_100 : memref<1x2x100xi32, #tpu.memory_space<hbm>> -> memref<2x100xi32, #tpu.memory_space<hbm>>
          tpu.enqueue_dma source(%dma_start3A_101 : memref<2x100xi32, #tpu.memory_space<hbm>>) target(%arg7 : memref<2x100xi32, #tpu.memory_space<vmem>>) target_semaphore(%run_scoped3A : memref<!tpu.dma_semaphore, #tpu.memory_space<semaphore_mem>>)
          %dma_wait3A = arith.constant 0 : i32
          %dma_wait3A_102 = arith.constant 0 : i32
          %dma_wait3A_103 = tpu.memref_slice %arg3[%add3A_86, %dma_wait3A, %dma_wait3A_102] : memref<3200x2x100xi32, #tpu.memory_space<hbm>> -> memref<1x2x100xi32, #tpu.memory_space<hbm>>
          %dma_wait3A_104 = tpu.memref_squeeze %dma_wait3A_103 : memref<1x2x100xi32, #tpu.memory_space<hbm>> -> memref<2x100xi32, #tpu.memory_space<hbm>>
          %dma_wait3A_105 = arith.constant 0 : i32
          %dma_wait3A_106 = arith.constant 0 : i32
          %dma_wait3A_107 = tpu.memref_slice %arg3[%add3A_86, %dma_wait3A_105, %dma_wait3A_106] : memref<3200x2x100xi32, #tpu.memory_space<hbm>> -> memref<1x2x100xi32, #tpu.memory_space<hbm>>
          %dma_wait3A_108 = tpu.memref_squeeze %dma_wait3A_107 : memref<1x2x100xi32, #tpu.memory_space<hbm>> -> memref<2x100xi32, #tpu.memory_space<hbm>>
          tpu.wait_dma2 semaphore(%run_scoped3A : memref<!tpu.dma_semaphore, #tpu.memory_space<semaphore_mem>>) src(%dma_wait3A_108 : memref<2x100xi32, #tpu.memory_space<hbm>>) dst(%arg7 : memref<2x100xi32, #tpu.memory_space<vmem>>)
          tpu.yield
        }) : () -> ()
        %dma_start3A_87 = arith.constant 0 : i32
        %dma_start3A_88 = arith.constant 0 : i32
        %dma_start3A_89 = tpu.memref_slice %arg7[%dma_start3A_87, %dma_start3A_88] : memref<2x100xi32, #tpu.memory_space<vmem>> -> memref<1x100xi32, #tpu.memory_space<vmem>>
        %dma_start3A_90 = tpu.memref_squeeze %dma_start3A_89 : memref<1x100xi32, #tpu.memory_space<vmem>> -> memref<100xi32, #tpu.memory_space<vmem>>
        %dma_start3A_91 = arith.constant 0 : i32
        %dma_start3A_92 = arith.constant 0 : i32
        %dma_start3A_93 = tpu.memref_slice %arg2[%dma_start3A_91, %dma_start3A_92] : memref<10000x128xf32, #tpu.memory_space<hbm>> -> memref<10000x128xf32, #tpu.memory_space<hbm>>
        tpu.enqueue_indirect_dma source(%dma_start3A_93 : memref<10000x128xf32, #tpu.memory_space<hbm>>) target(%arg10 : memref<100x128xf32, #tpu.memory_space<vmem>>) offsets(%dma_start3A_90 : memref<100xi32, #tpu.memory_space<vmem>>) semaphore(%arg14 : memref<!tpu.dma_semaphore, #tpu.memory_space<semaphore_mem>>)
      } else {
      }
      %add3A_73 = arith.constant 2 : i32
      %add3A_74 = arith.addi %add3A_34, %add3A_73 : i32
      %lt3A_75 = arith.constant 100 : i32
      %lt3A_76 = arith.cmpi slt, %add3A_74, %lt3A_75 : i32
      %convert_element_type3A_77 = arith.extui %lt3A_76 : i1 to i32
      %cond3A_78 = arith.constant 0 : i32
      %cond3A_79 = arith.cmpi ne, %convert_element_type3A_77, %cond3A_78 : i32
      scf.if %cond3A_79 {
        %dma_wait3A = arith.constant 0 : i32
        %dma_wait3A_80 = arith.constant 0 : i32
        %dma_wait3A_81 = tpu.memref_slice %arg8[%dma_wait3A, %dma_wait3A_80] : memref<2x100xi32, #tpu.memory_space<vmem>> -> memref<1x100xi32, #tpu.memory_space<vmem>>
        %dma_wait3A_82 = tpu.memref_squeeze %dma_wait3A_81 : memref<1x100xi32, #tpu.memory_space<vmem>> -> memref<100xi32, #tpu.memory_space<vmem>>
        %dma_wait3A_83 = arith.constant 0 : i32
        %dma_wait3A_84 = arith.constant 0 : i32
        %dma_wait3A_85 = tpu.memref_slice %arg2[%dma_wait3A_83, %dma_wait3A_84] : memref<10000x128xf32, #tpu.memory_space<hbm>> -> memref<10000x128xf32, #tpu.memory_space<hbm>>
        tpu.wait_indirect_dma semaphore(%arg15 : memref<!tpu.dma_semaphore, #tpu.memory_space<semaphore_mem>>) src(%dma_wait3A_85 : memref<10000x128xf32, #tpu.memory_space<hbm>>) dst(%arg11 : memref<100x128xf32, #tpu.memory_space<vmem>>)
        %run_scoped3A = arith.constant 1 : i32
        "tpu.region"() ({
          %run_scoped3A_86 = tpu.sem_alloc : memref<!tpu.dma_semaphore, #tpu.memory_space<semaphore_mem>>
          %dma_start3A_87 = arith.constant 0 : i32
          %dma_start3A_88 = tpu.memref_slice %arg8[%run_scoped3A, %dma_start3A_87] : memref<2x100xi32, #tpu.memory_space<vmem>> -> memref<1x100xi32, #tpu.memory_space<vmem>>
          %dma_start3A_89 = tpu.memref_squeeze %dma_start3A_88 : memref<1x100xi32, #tpu.memory_space<vmem>> -> memref<100xi32, #tpu.memory_space<vmem>>
          %dma_start3A_90 = arith.constant 0 : i32
          %dma_start3A_91 = arith.constant 0 : i32
          %dma_start3A_92 = tpu.memref_slice %arg12[%dma_start3A_90, %dma_start3A_91] : memref<10240x128xf32, #tpu.memory_space<vmem_shared>> -> memref<10240x128xf32, #tpu.memory_space<vmem_shared>>
          tpu.enqueue_indirect_dma source(%arg11 : memref<100x128xf32, #tpu.memory_space<vmem>>) target(%dma_start3A_92 : memref<10240x128xf32, #tpu.memory_space<vmem_shared>>) offsets(%dma_start3A_89 : memref<100xi32, #tpu.memory_space<vmem>>) semaphore(%run_scoped3A_86 : memref<!tpu.dma_semaphore, #tpu.memory_space<semaphore_mem>>) {add = true}
          %dma_wait3A_93 = arith.constant 0 : i32
          %dma_wait3A_94 = tpu.memref_slice %arg8[%run_scoped3A, %dma_wait3A_93] : memref<2x100xi32, #tpu.memory_space<vmem>> -> memref<1x100xi32, #tpu.memory_space<vmem>>
          %dma_wait3A_95 = tpu.memref_squeeze %dma_wait3A_94 : memref<1x100xi32, #tpu.memory_space<vmem>> -> memref<100xi32, #tpu.memory_space<vmem>>
          %dma_wait3A_96 = arith.constant 0 : i32
          %dma_wait3A_97 = arith.constant 0 : i32
          %dma_wait3A_98 = tpu.memref_slice %arg12[%dma_wait3A_96, %dma_wait3A_97] : memref<10240x128xf32, #tpu.memory_space<vmem_shared>> -> memref<10240x128xf32, #tpu.memory_space<vmem_shared>>
          tpu.wait_indirect_dma semaphore(%run_scoped3A_86 : memref<!tpu.dma_semaphore, #tpu.memory_space<semaphore_mem>>) src(%arg11 : memref<100x128xf32, #tpu.memory_space<vmem>>) dst(%dma_wait3A_98 : memref<10240x128xf32, #tpu.memory_space<vmem_shared>>)
          tpu.yield
        }) : () -> ()
      } else {
      }
    }
    %scan3A_21 = arith.constant 34 : i32
    %barrier3A_22 = arith.constant 0 : index
    tpu.barrier barrier_id(%barrier3A_22)
    %mul3A_23 = arith.constant 640 : i32
    %mul3A_24 = arith.muli %arg1, %mul3A_23 : i32
    %mul3A_25 = arith.constant 10240 : i32
    %mul3A_26 = arith.muli %arg0, %mul3A_25 : i32
    %mul3A_27 = arith.constant 640 : i32
    %mul3A_28 = arith.muli %arg1, %mul3A_27 : i32
    %add3A_29 = arith.addi %mul3A_26, %mul3A_28 : i32
    "tpu.region"() ({
      %run_scoped3A = tpu.sem_alloc : memref<!tpu.dma_semaphore, #tpu.memory_space<semaphore_mem>>
      %dma_start3A_30 = arith.constant 0 : i32
      %dma_start3A_31 = tpu.memref_slice %arg5[%add3A_29, %dma_start3A_30] : memref<20480x128xf32, #tpu.memory_space<hbm>> -> memref<640x128xf32, #tpu.memory_space<hbm>>
      %dma_start3A_32 = arith.constant 0 : i32
      %dma_start3A_33 = tpu.memref_slice %arg12[%mul3A_24, %dma_start3A_32] : memref<10240x128xf32, #tpu.memory_space<vmem_shared>> -> memref<640x128xf32, #tpu.memory_space<vmem_shared>>
      tpu.enqueue_dma source(%dma_start3A_33 : memref<640x128xf32, #tpu.memory_space<vmem_shared>>) target(%dma_start3A_31 : memref<640x128xf32, #tpu.memory_space<hbm>>) target_semaphore(%run_scoped3A : memref<!tpu.dma_semaphore, #tpu.memory_space<semaphore_mem>>)
      %dma_wait3A = arith.constant 0 : i32
      %dma_wait3A_34 = tpu.memref_slice %arg5[%add3A_29, %dma_wait3A] : memref<20480x128xf32, #tpu.memory_space<hbm>> -> memref<640x128xf32, #tpu.memory_space<hbm>>
      %dma_wait3A_35 = arith.constant 0 : i32
      %dma_wait3A_36 = tpu.memref_slice %arg12[%mul3A_24, %dma_wait3A_35] : memref<10240x128xf32, #tpu.memory_space<vmem_shared>> -> memref<640x128xf32, #tpu.memory_space<vmem_shared>>
      tpu.wait_dma2 semaphore(%run_scoped3A : memref<!tpu.dma_semaphore, #tpu.memory_space<semaphore_mem>>) src(%dma_wait3A_36 : memref<640x128xf32, #tpu.memory_space<vmem_shared>>) dst(%dma_wait3A_34 : memref<640x128xf32, #tpu.memory_space<hbm>>)
      tpu.yield
    }) : () -> ()
    return
  }
}

module attributes {stable_mosaic.version = 14 : i64} {
  func.func @body(%arg0: i32, %arg1: memref<2x1000x128xf32, #tpu.memory_space<vmem>>, %arg2: memref<2x1000x128xf32, #tpu.memory_space<vmem>>, %arg3: memref<1000x128xf32, #tpu.memory_space<vmem>>, %arg4: memref<128x128xf32, #tpu.memory_space<vmem>>, %arg5: memref<128x128xf32, #tpu.memory_space<vmem>>, %arg6: memref<1x128xf32, #tpu.memory_space<vmem>>, %arg7: memref<1000x128xf32, #tpu.memory_space<vmem>>) attributes {dimension_semantics = [#tpu.dimension_semantics<arbitrary>], iteration_bounds = array<i64: 10>, scalar_prefetch = 0 : i64, scratch_operands = 0 : i64, tpu.core_type = #tpu.core_type<tc>, window_params = [{transform_indices = @transform_0, window_bounds = array<i64: 2, 1000, 128>}, {transform_indices = @transform_1, window_bounds = array<i64: 2, 1000, 128>}, {transform_indices = @transform_2, window_bounds = array<i64: 1000, 128>}, {pipeline_mode = #tpu.pipeline_mode<synchronous>, transform_indices = @transform_3, window_bounds = array<i64: 128, 128>}, {pipeline_mode = #tpu.pipeline_mode<synchronous>, transform_indices = @transform_4, window_bounds = array<i64: 128, 128>}, {pipeline_mode = #tpu.pipeline_mode<synchronous>, transform_indices = @transform_5, window_bounds = array<i64: 1, 128>}, {transform_indices = @transform_6, window_bounds = array<i64: 1000, 128>}]} {
    %get3A = arith.constant 0 : index
    %get3A_0 = arith.constant 0 : index
    %get3A_1 = arith.constant 0 : index
    %get3A_2 = vector.load %arg1[%get3A, %get3A_0, %get3A_1] : memref<2x1000x128xf32, #tpu.memory_space<vmem>>, vector<1x1000x128xf32>
    %get3A_3 = vector.shape_cast %get3A_2 : vector<1x1000x128xf32> to vector<1000x128xf32>
    %get3A_4 = arith.constant 1 : index
    %get3A_5 = arith.constant 0 : index
    %get3A_6 = arith.constant 0 : index
    %get3A_7 = vector.load %arg1[%get3A_4, %get3A_5, %get3A_6] : memref<2x1000x128xf32, #tpu.memory_space<vmem>>, vector<1x1000x128xf32>
    %get3A_8 = vector.shape_cast %get3A_7 : vector<1x1000x128xf32> to vector<1000x128xf32>
    %add3A = arith.addf %get3A_3, %get3A_8 : vector<1000x128xf32>
    %get3A_9 = arith.constant 0 : index
    %get3A_10 = arith.constant 0 : index
    %get3A_11 = arith.constant 0 : index
    %get3A_12 = vector.load %arg2[%get3A_9, %get3A_10, %get3A_11] : memref<2x1000x128xf32, #tpu.memory_space<vmem>>, vector<1x1000x1xf32>
    %get3A_13 = vector.shape_cast %get3A_12 : vector<1x1000x1xf32> to vector<1000xf32>
    %get3A_14 = arith.constant 1 : index
    %get3A_15 = arith.constant 0 : index
    %get3A_16 = arith.constant 0 : index
    %get3A_17 = vector.load %arg2[%get3A_14, %get3A_15, %get3A_16] : memref<2x1000x128xf32, #tpu.memory_space<vmem>>, vector<1x1000x1xf32>
    %get3A_18 = vector.shape_cast %get3A_17 : vector<1x1000x1xf32> to vector<1000xf32>
    %add3A_19 = arith.addf %get3A_13, %get3A_18 : vector<1000xf32>
    %jit3A = arith.constant 1.000000e+00 : f32
    %max3A = vector.broadcast %jit3A : f32 to vector<1000xf32>
    %max3A_20 = arith.maximumf %max3A, %add3A_19 : vector<1000xf32>
    %broadcast_in_dim3A = vector.shape_cast %max3A_20 : vector<1000xf32> to vector<1000x1xf32>
    %div3A = vector.broadcast %broadcast_in_dim3A : vector<1000x1xf32> to vector<1000x128xf32>
    %div3A_21 = arith.divf %add3A, %div3A : vector<1000x128xf32>
    %get3A_22 = arith.constant 0 : index
    %get3A_23 = arith.constant 0 : index
    %get3A_24 = vector.load %arg4[%get3A_22, %get3A_23] : memref<128x128xf32, #tpu.memory_space<vmem>>, vector<128x128xf32>
    %dot_general3A = arith.constant dense<0.000000e+00> : vector<1000x128xf32>
    %dot_general3A_25 = tpu.matmul %div3A_21, %get3A_24, %dot_general3A {dimension_numbers = #tpu.dot_dimension_numbers<[1], [0], [0], [1], [0, 0, 1, 1], [], []>, transpose_lhs_hint = false} : vector<1000x128xf32>, vector<128x128xf32>, vector<1000x128xf32> -> vector<1000x128xf32>
    %get3A_26 = arith.constant 0 : index
    %get3A_27 = arith.constant 0 : index
    %get3A_28 = vector.load %arg3[%get3A_26, %get3A_27] : memref<1000x128xf32, #tpu.memory_space<vmem>>, vector<1000x128xf32>
    %get3A_29 = arith.constant 0 : index
    %get3A_30 = arith.constant 0 : index
    %get3A_31 = vector.load %arg5[%get3A_29, %get3A_30] : memref<128x128xf32, #tpu.memory_space<vmem>>, vector<128x128xf32>
    %dot_general3A_32 = arith.constant dense<0.000000e+00> : vector<1000x128xf32>
    %dot_general3A_33 = tpu.matmul %get3A_28, %get3A_31, %dot_general3A_32 {dimension_numbers = #tpu.dot_dimension_numbers<[1], [0], [0], [1], [0, 0, 1, 1], [], []>, transpose_lhs_hint = false} : vector<1000x128xf32>, vector<128x128xf32>, vector<1000x128xf32> -> vector<1000x128xf32>
    %add3A_34 = arith.addf %dot_general3A_25, %dot_general3A_33 : vector<1000x128xf32>
    %get3A_35 = arith.constant 0 : index
    %get3A_36 = arith.constant 0 : index
    %get3A_37 = vector.load %arg6[%get3A_35, %get3A_36] : memref<1x128xf32, #tpu.memory_space<vmem>>, vector<1x128xf32>
    %add3A_38 = vector.broadcast %get3A_37 : vector<1x128xf32> to vector<1000x128xf32>
    %add3A_39 = arith.addf %add3A_34, %add3A_38 : vector<1000x128xf32>
    %max3A_40 = arith.constant 0.000000e+00 : f32
    %max3A_41 = vector.broadcast %max3A_40 : f32 to vector<1000x128xf32>
    %max3A_42 = arith.maximumf %add3A_39, %max3A_41 : vector<1000x128xf32>
    %swap3A = arith.constant 0 : index
    %swap3A_43 = arith.constant 0 : index
    %swap3A_44 = vector.load %arg7[%swap3A, %swap3A_43] : memref<1000x128xf32, #tpu.memory_space<vmem>>, vector<1000x128xf32>
    tpu.vector_store %arg7[%swap3A, %swap3A_43], %max3A_42 {strides = array<i32>} : memref<1000x128xf32, #tpu.memory_space<vmem>>, vector<1000x128xf32>,
    return
  }
  func.func @transform_0(%arg0: i32) -> (i32, i32, i32) {
    %c0_i32 = arith.constant 0 : i32
    %c0_i32_0 = arith.constant 0 : i32
    %c0_i32_1 = arith.constant 0 : i32
    return %c0_i32, %arg0, %c0_i32_0 : i32, i32, i32
  }
  func.func @transform_1(%arg0: i32) -> (i32, i32, i32) {
    %c0_i32 = arith.constant 0 : i32
    %c0_i32_0 = arith.constant 0 : i32
    %c0_i32_1 = arith.constant 0 : i32
    return %c0_i32, %arg0, %c0_i32_0 : i32, i32, i32
  }
  func.func @transform_2(%arg0: i32) -> (i32, i32) {
    %c0_i32 = arith.constant 0 : i32
    %c0_i32_0 = arith.constant 0 : i32
    return %arg0, %c0_i32 : i32, i32
  }
  func.func @transform_3(%arg0: i32) -> (i32, i32) {
    %c0_i32 = arith.constant 0 : i32
    %c0_i32_0 = arith.constant 0 : i32
    %c0_i32_1 = arith.constant 0 : i32
    return %c0_i32, %c0_i32_0 : i32, i32
  }
  func.func @transform_4(%arg0: i32) -> (i32, i32) {
    %c0_i32 = arith.constant 0 : i32
    %c0_i32_0 = arith.constant 0 : i32
    %c0_i32_1 = arith.constant 0 : i32
    return %c0_i32, %c0_i32_0 : i32, i32
  }
  func.func @transform_5(%arg0: i32) -> (i32, i32) {
    %c0_i32 = arith.constant 0 : i32
    %c0_i32_0 = arith.constant 0 : i32
    %c0_i32_1 = arith.constant 0 : i32
    return %c0_i32, %c0_i32_0 : i32, i32
  }
  func.func @transform_6(%arg0: i32) -> (i32, i32) {
    %c0_i32 = arith.constant 0 : i32
    %c0_i32_0 = arith.constant 0 : i32
    return %arg0, %c0_i32 : i32, i32
  }
}

module attributes {stable_mosaic.version = 14 : i64} {
  func.func @body(%arg0: i32, %arg1: memref<2x1000x128xf32, #tpu.memory_space<vmem>>, %arg2: memref<2x1000x128xf32, #tpu.memory_space<vmem>>, %arg3: memref<1000x128xf32, #tpu.memory_space<vmem>>, %arg4: memref<128x128xf32, #tpu.memory_space<vmem>>, %arg5: memref<128x128xf32, #tpu.memory_space<vmem>>, %arg6: memref<1x128xf32, #tpu.memory_space<vmem>>, %arg7: memref<1000x128xf32, #tpu.memory_space<vmem>>) attributes {dimension_semantics = [#tpu.dimension_semantics<arbitrary>], iteration_bounds = array<i64: 10>, scalar_prefetch = 0 : i64, scratch_operands = 0 : i64, tpu.core_type = #tpu.core_type<tc>, window_params = [{transform_indices = @transform_0, window_bounds = array<i64: 2, 1000, 128>}, {transform_indices = @transform_1, window_bounds = array<i64: 2, 1000, 128>}, {transform_indices = @transform_2, window_bounds = array<i64: 1000, 128>}, {pipeline_mode = #tpu.pipeline_mode<synchronous>, transform_indices = @transform_3, window_bounds = array<i64: 128, 128>}, {pipeline_mode = #tpu.pipeline_mode<synchronous>, transform_indices = @transform_4, window_bounds = array<i64: 128, 128>}, {pipeline_mode = #tpu.pipeline_mode<synchronous>, transform_indices = @transform_5, window_bounds = array<i64: 1, 128>}, {transform_indices = @transform_6, window_bounds = array<i64: 1000, 128>}]} {
    %get3A = arith.constant 0 : index
    %get3A_0 = arith.constant 0 : index
    %get3A_1 = arith.constant 0 : index
    %get3A_2 = vector.load %arg1[%get3A, %get3A_0, %get3A_1] : memref<2x1000x128xf32, #tpu.memory_space<vmem>>, vector<1x1000x128xf32>
    %get3A_3 = vector.shape_cast %get3A_2 : vector<1x1000x128xf32> to vector<1000x128xf32>
    %get3A_4 = arith.constant 1 : index
    %get3A_5 = arith.constant 0 : index
    %get3A_6 = arith.constant 0 : index
    %get3A_7 = vector.load %arg1[%get3A_4, %get3A_5, %get3A_6] : memref<2x1000x128xf32, #tpu.memory_space<vmem>>, vector<1x1000x128xf32>
    %get3A_8 = vector.shape_cast %get3A_7 : vector<1x1000x128xf32> to vector<1000x128xf32>
    %add3A = arith.addf %get3A_3, %get3A_8 : vector<1000x128xf32>
    %get3A_9 = arith.constant 0 : index
    %get3A_10 = arith.constant 0 : index
    %get3A_11 = arith.constant 0 : index
    %get3A_12 = vector.load %arg2[%get3A_9, %get3A_10, %get3A_11] : memref<2x1000x128xf32, #tpu.memory_space<vmem>>, vector<1x1000x1xf32>
    %get3A_13 = vector.shape_cast %get3A_12 : vector<1x1000x1xf32> to vector<1000xf32>
    %get3A_14 = arith.constant 1 : index
    %get3A_15 = arith.constant 0 : index
    %get3A_16 = arith.constant 0 : index
    %get3A_17 = vector.load %arg2[%get3A_14, %get3A_15, %get3A_16] : memref<2x1000x128xf32, #tpu.memory_space<vmem>>, vector<1x1000x1xf32>
    %get3A_18 = vector.shape_cast %get3A_17 : vector<1x1000x1xf32> to vector<1000xf32>
    %add3A_19 = arith.addf %get3A_13, %get3A_18 : vector<1000xf32>
    %jit3A = arith.constant 1.000000e+00 : f32
    %max3A = vector.broadcast %jit3A : f32 to vector<1000xf32>
    %max3A_20 = arith.maximumf %max3A, %add3A_19 : vector<1000xf32>
    %broadcast_in_dim3A = vector.shape_cast %max3A_20 : vector<1000xf32> to vector<1000x1xf32>
    %div3A = vector.broadcast %broadcast_in_dim3A : vector<1000x1xf32> to vector<1000x128xf32>
    %div3A_21 = arith.divf %add3A, %div3A : vector<1000x128xf32>
    %get3A_22 = arith.constant 0 : index
    %get3A_23 = arith.constant 0 : index
    %get3A_24 = vector.load %arg4[%get3A_22, %get3A_23] : memref<128x128xf32, #tpu.memory_space<vmem>>, vector<128x128xf32>
    %dot_general3A = arith.constant dense<0.000000e+00> : vector<1000x128xf32>
    %dot_general3A_25 = tpu.matmul %div3A_21, %get3A_24, %dot_general3A {dimension_numbers = #tpu.dot_dimension_numbers<[1], [0], [0], [1], [0, 0, 1, 1], [], []>, transpose_lhs_hint = false} : vector<1000x128xf32>, vector<128x128xf32>, vector<1000x128xf32> -> vector<1000x128xf32>
    %get3A_26 = arith.constant 0 : index
    %get3A_27 = arith.constant 0 : index
    %get3A_28 = vector.load %arg3[%get3A_26, %get3A_27] : memref<1000x128xf32, #tpu.memory_space<vmem>>, vector<1000x128xf32>
    %get3A_29 = arith.constant 0 : index
    %get3A_30 = arith.constant 0 : index
    %get3A_31 = vector.load %arg5[%get3A_29, %get3A_30] : memref<128x128xf32, #tpu.memory_space<vmem>>, vector<128x128xf32>
    %dot_general3A_32 = arith.constant dense<0.000000e+00> : vector<1000x128xf32>
    %dot_general3A_33 = tpu.matmul %get3A_28, %get3A_31, %dot_general3A_32 {dimension_numbers = #tpu.dot_dimension_numbers<[1], [0], [0], [1], [0, 0, 1, 1], [], []>, transpose_lhs_hint = false} : vector<1000x128xf32>, vector<128x128xf32>, vector<1000x128xf32> -> vector<1000x128xf32>
    %add3A_34 = arith.addf %dot_general3A_25, %dot_general3A_33 : vector<1000x128xf32>
    %get3A_35 = arith.constant 0 : index
    %get3A_36 = arith.constant 0 : index
    %get3A_37 = vector.load %arg6[%get3A_35, %get3A_36] : memref<1x128xf32, #tpu.memory_space<vmem>>, vector<1x128xf32>
    %add3A_38 = vector.broadcast %get3A_37 : vector<1x128xf32> to vector<1000x128xf32>
    %add3A_39 = arith.addf %add3A_34, %add3A_38 : vector<1000x128xf32>
    %swap3A = arith.constant 0 : index
    %swap3A_40 = arith.constant 0 : index
    %swap3A_41 = vector.load %arg7[%swap3A, %swap3A_40] : memref<1000x128xf32, #tpu.memory_space<vmem>>, vector<1000x128xf32>
    tpu.vector_store %arg7[%swap3A, %swap3A_40], %add3A_39 {strides = array<i32>} : memref<1000x128xf32, #tpu.memory_space<vmem>>, vector<1000x128xf32>,
    return
  }
  func.func @transform_0(%arg0: i32) -> (i32, i32, i32) {
    %c0_i32 = arith.constant 0 : i32
    %c0_i32_0 = arith.constant 0 : i32
    %c0_i32_1 = arith.constant 0 : i32
    return %c0_i32, %arg0, %c0_i32_0 : i32, i32, i32
  }
  func.func @transform_1(%arg0: i32) -> (i32, i32, i32) {
    %c0_i32 = arith.constant 0 : i32
    %c0_i32_0 = arith.constant 0 : i32
    %c0_i32_1 = arith.constant 0 : i32
    return %c0_i32, %arg0, %c0_i32_0 : i32, i32, i32
  }
  func.func @transform_2(%arg0: i32) -> (i32, i32) {
    %c0_i32 = arith.constant 0 : i32
    %c0_i32_0 = arith.constant 0 : i32
    return %arg0, %c0_i32 : i32, i32
  }
  func.func @transform_3(%arg0: i32) -> (i32, i32) {
    %c0_i32 = arith.constant 0 : i32
    %c0_i32_0 = arith.constant 0 : i32
    %c0_i32_1 = arith.constant 0 : i32
    return %c0_i32, %c0_i32_0 : i32, i32
  }
  func.func @transform_4(%arg0: i32) -> (i32, i32) {
    %c0_i32 = arith.constant 0 : i32
    %c0_i32_0 = arith.constant 0 : i32
    %c0_i32_1 = arith.constant 0 : i32
    return %c0_i32, %c0_i32_0 : i32, i32
  }
  func.func @transform_5(%arg0: i32) -> (i32, i32) {
    %c0_i32 = arith.constant 0 : i32
    %c0_i32_0 = arith.constant 0 : i32
    %c0_i32_1 = arith.constant 0 : i32
    return %c0_i32, %c0_i32_0 : i32, i32
  }
  func.func @transform_6(%arg0: i32) -> (i32, i32) {
    %c0_i32 = arith.constant 0 : i32
    %c0_i32_0 = arith.constant 0 : i32
    return %arg0, %c0_i32 : i32, i32
  }
}

</mosaic_0001>

<sc_bundles>
// kernel: kernel.10.cloned.1.call-start
scs
__scs_entry_jumppad:
0x0: {  	(pc) =	sbr.rel $0x88, $3  }
0x1: {  	(tag) =	ssettag $0x0;
	lr =	simm.s32 $0x1  }
0x2: {  	[smem:$0x3F99] =	sst lr;
	_ =	strace $0xD0000000  }
0x3: {  	_ = 	snop  }
0x4: {  	_ = 	snop  }
0x5: {  	_ = 	snop  }
0x6: {  	_ = 	snop  }
0x7: {  	_ = 	snop  }
__scs_overlays_trampoline_lowered:
0x8: {  	[smem:$0x3FA8] =	sst s0  }
0x9: {  	[smem:$0x3FA9] =	sst s1  }
0xa: {  	[smem:$0x3FAA] =	sst s2  }
0xb: {  	[smem:$0x3FAB] =	sst s3  }
0xc: {  	[smem:$0x3FAC] =	sst s4  }
0xd: {  	[smem:$0x3FAD] =	sst s5  }
0xe: {  	[smem:$0x3FAE] =	sst s6  }
0xf: {  	[smem:$0x3FAF] =	sst s7  }
0x10: {  	[smem:$0x3FB0] =	sst s8  }
0x11: {  	[smem:$0x3FB1] =	sst s9;
	s0 =	simm.s32 @!p0 $0x0  }
0x12: {  	s1 =	sld [smem:$0x3F97];
	s0 =	simm.s32 @p0 $0x1  }
0x13: {  	[smem:$0x3FB2] =	sst s0;
	s0 =	simm.s32 @!p1 $0x0  }
0x14: {  	s2 =	sld [smem:$0x3F96];
	s0 =	simm.s32 @p1 $0x1  }
0x15: {  	[smem:$0x3FB3] =	sst s0;
	s0 =	simm.s32 @!p2 $0x0  }
0x16: {  	s3 =	sld [smem:$0x3FDB];
	s0 =	simm.s32 @p2 $0x1  }
0x17: {  	s4 =	simm.s32 $0x1BF5;
	[smem:$0x3FB5] =	sst s0  }
0x18: {  	s0 =	sld [smem:$0x3F98];
	_ =	swait.ge [sflag:s4], $0x0  }
0x19: {  	s7 =	sld [smem:$0x3F99]  }
0x1a: {  	s8 =	sadd.s32 $0xFFFFE003, lr  }
0x1b: {  	s9 =	sadd.s32 $0xFFFFFEF7, lr;
	s5 =	simm.s32 $0xFFFFFFFF;
	p2 =	slt.u32 s8, $0xFFFFF086  }
0x1c: {  	p1 =	slt.u32 s9, $0xF7A;
	s5 =	simm.s32 @!p2 $0x0  }
0x1d: {  	s5 =	simm.s32 @p1 $0x1;
	p0 =	seq.s32 s7, s2  }
0x1e: {  	s7 =	smul.u32 @!p0 $0xF7A, s2;
	p2 =	seq.s32 @!p0 s5, $0x0  }
0x1f: {  	s9 =	smul.u32 $0xF7A, s1;
	s8 =	simm.s32 @!p0 $0x1BF5;
	p2 =	por !p2, p0  }
0x20: {  	[sflag:s8] =	ssyncset.s32 @!p0 $0xFFFFF086;
	s6 =	sadd.s32 @!p0 s3, s7;
	s7 =	simm.s32 @!p0 $0x108  }
0x21: {  	s3 =	sadd.s32 s3, s9;
	s6 =	sadd.s32 @!p0 $0x88, s6;
	s7 =	simm.s32 @p2 $0x1082  }
0x22: {  	[simem:s7], [sflag:s8] =	dma.local @!p0 [hbm:s6], $0xF7A  }
0x23: {  	s9 =	sor.u32 $0xD0000000, s2;
	s6 =	simm.s32 $0x108;
	_ =	swait.ge @!p0 [sflag:s8], $0x0  }
0x24: {  	s3 =	sadd.s32 $0x88, s3;
	s6 =	simm.s32 @!p1 $0x1082;
	[sflag:s4] =	ssyncset.s32 $0xFFFFF086  }
0x25: {  	[simem:s6], [sflag:s4] =	dma.local [hbm:s3], $0xF7A  }
0x26: {  	[smem:$0x3F99] =	sst s1;
	(tag) =	ssettag s2;
	_ =	strace s9  }
0x27: {  	s1 =	sld [smem:$0x3FA9]  }
0x28: {  	s2 =	sld [smem:$0x3FAA]  }
0x29: {  	s4 =	sld [smem:$0x3FAC]  }
0x2a: {  	p0 =	seq.s32 s5, $0x0;
	s5 =	sld [smem:$0x3FAD]  }
0x2b: {  	s6 =	sld [smem:$0x3FAE]  }
0x2c: {  	s7 =	sld [smem:$0x3FAF]  }
0x2d: {  	s3 =	simm.s32 $0x108;
	s8 =	sld [smem:$0x3FB0]  }
0x2e: {  	s3 =	simm.s32 @!p0 $0x1082;
	s9 =	sld [smem:$0x3FB1]  }
0x2f: {  	lr =	sadd.s32 s0, s3;
	s0 =	sld [smem:$0x3FA8]  }
0x30: {  	s3 =	sld [smem:$0x3FAB]  }
0x31: {  	[smem:$0x3FB4] =	sst s10  }
0x32: {  	s10 =	sld [smem:$0x3FB2];
	_ =	sdelay $0x3  }
0x33: {  	p0 =	seq.s32 s10, $0x1;
	s10 =	sld [smem:$0x3FB4];
	_ =	sdelay $0x3  }
0x34: {  	[smem:$0x3FB4] =	sst s10  }
0x35: {  	s10 =	sld [smem:$0x3FB3];
	_ =	sdelay $0x3  }
0x36: {  	p1 =	seq.s32 s10, $0x1;
	s10 =	sld [smem:$0x3FB4];
	_ =	sdelay $0x3  }
0x37: {  	[smem:$0x3FB4] =	sst s10  }
0x38: {  	s10 =	sld [smem:$0x3FB5]  }
0x39: {  	_ = 	snop;
	(pc) =	sbr.ind lr, $3  }
0x3a: {  	_ = 	snop  }
0x3b: {  	_ = 	snop  }
0x3c: {  	p2 =	seq.s32 s10, $0x1;
	s10 =	sld [smem:$0x3FB4]  }
0x3d: {  	_ =	shalt  }
0x3e: {  	_ =	shalt  }
0x3f: {  	_ =	shalt  }
0x40: {  	_ =	shalt  }
0x41: {  	_ =	shalt  }
0x42: {  	_ =	shalt  }
0x43: {  	_ =	shalt  }
0x44: {  	_ =	shalt  }
0x45: {  	_ =	shalt  }
0x46: {  	_ =	shalt  }
0x47: {  	_ =	shalt  }
0x48: {  	_ =	shalt  }
0x49: {  	_ =	shalt  }
0x4a: {  	_ =	shalt  }
0x4b: {  	_ =	shalt  }
0x4c: {  	_ =	shalt  }
0x4d: {  	_ =	shalt  }
0x4e: {  	_ =	shalt  }
0x4f: {  	_ =	shalt  }
0x50: {  	_ =	shalt  }
0x51: {  	_ =	shalt  }
0x52: {  	_ =	shalt  }
0x53: {  	_ =	shalt  }
0x54: {  	_ =	shalt  }
0x55: {  	_ =	shalt  }
0x56: {  	_ =	shalt  }
0x57: {  	_ =	shalt  }
0x58: {  	_ =	shalt  }
0x59: {  	_ =	shalt  }
0x5a: {  	_ =	shalt  }
0x5b: {  	_ =	shalt  }
0x5c: {  	_ =	shalt  }
0x5d: {  	_ =	shalt  }
0x5e: {  	_ =	shalt  }
0x5f: {  	_ =	shalt  }
0x60: {  	_ =	shalt  }
0x61: {  	_ =	shalt  }
0x62: {  	_ =	shalt  }
0x63: {  	_ =	shalt  }
0x64: {  	_ =	shalt  }
0x65: {  	_ =	shalt  }
0x66: {  	_ =	shalt  }
0x67: {  	_ =	shalt  }
0x68: {  	_ =	shalt  }
0x69: {  	_ =	shalt  }
0x6a: {  	_ =	shalt  }
0x6b: {  	_ =	shalt  }
0x6c: {  	_ =	shalt  }
0x6d: {  	_ =	shalt  }
0x6e: {  	_ =	shalt  }
0x6f: {  	_ =	shalt  }
0x70: {  	_ =	shalt  }
0x71: {  	_ =	shalt  }
0x72: {  	_ =	shalt  }
0x73: {  	_ =	shalt  }
0x74: {  	_ =	shalt  }
0x75: {  	_ =	shalt  }
0x76: {  	_ =	shalt  }
0x77: {  	_ =	shalt  }
0x78: {  	_ =	shalt  }
0x79: {  	_ =	shalt  }
0x7a: {  	_ =	shalt  }
0x7b: {  	_ =	shalt  }
0x7c: {  	_ =	shalt  }
0x7d: {  	_ =	shalt  }
0x7e: {  	_ =	shalt  }
0x7f: {  	_ =	shalt  }
0x80: {  	_ =	shalt  }
0x81: {  	_ =	shalt  }
0x82: {  	_ =	shalt  }
0x83: {  	_ =	shalt  }
0x84: {  	_ =	shalt  }
0x85: {  	_ =	shalt  }
0x86: {  	_ =	shalt  }
0x87: {  	_ =	shalt  }
.Lfunc_end0:
.L_simem_size_0:
called_computation.1_lowered:
.L_overlay_start_0:
0x88: {  	s2 =	sld [smem:$0x3FD9]  }
0x89: {  	s3 =	sld [smem:$0x3FFE];
	_ =	sdelay $0x1  }
0x8a: {  	s1 =	srdreg.scid  }
0x8b: {  	s0 =	sand.u32 $0x1, s1  }
0x8c: {  	s17 =	sshll.u32 s0, $0xA;
	s2 =	sadd.s32 s3, s2  }
0x8d: {  	s2 =	sadd.s32 s2, s17  }
0x8e: {  	[smem:$0x3FC0] =	sst s2  }
0x8f: {  	_ = 	snop  }
0x90: {  	s18 =	sld [smem:$0x3FC9];
	(tm) =	ssettm $0x1  }
0x91: {  	s19 =	sld [smem:$0x3FFB];
	_ =	sdelay $0x3  }
0x92: {  	_ =	strace s19  }
0x93: {  	s2 =	sld [smem:$0x3FFC];
	_ =	sdelay $0x3  }
0x94: {  	_ =	strace s2  }
0x95: {  	s2 =	sld [smem:$0x3FFD];
	_ =	sdelay $0x3  }
0x96: {  	_ =	strace s2  }
0x97: {  	_ =	strace $0x8FFFFFFF  }
0x98: {  	s20 =	sld [smem:$0x3FDB];
	_ =	sdelay $0x1  }
0x99: {  	s4 =	simm.s32 $_scs_section_size  }
0x9a: {  	s5 =	simm.s32 $_size__tile_overlayer_lowered;
	s6 =	simm.s32 $_tile_overlayer_lowered  }
0x9b: {  	s7 =	simm.s32 $0x1BFF;
	s21 =	sshll.u32 s6, $0x1;
	s4 =	sadd.s32 s4, s20  }
0x9c: {  	s22 =	simm.s32 $0x0;
	s5 =	sshll.u32 s5, $0x1;
	s6 =	sadd.s32 s21, s4  }
0x9d: {  	[timem:s22], [sflag:s7] =	dma.local [hbm:s6], s5  }
0x9e: {  	_ =	swait.ge [sflag:s7], s5  }
0x9f: {  	s5 =	ssub.s32 $0x0, s5;
	[sflag:s7] =	ssyncset.done $0x0  }
0xa0: {  	[sflag:s7] =	ssyncadd.s32 s5;
	_ =	sdelay $0x1  }
0xa1: {  	s23 =	simm.s32 $0x1B8B  }
0xa2: {  	_ =	swait.ge [sflag:s23], $0x1  }
0xa3: {  	[sflag:s23] =	ssyncset.done $0x0  }
0xa4: {  	[sflag:s23] =	ssyncadd.s32 $0xFFFFFFFF  }
0xa5: {  	s5 =	sld [smem:$0x0]  }
0xa6: {  	s6 =	sand.u32 $0xFFFFFFFE, s1  }
0xa7: {  	p0 =	sne.s32 s1, s6  }
0xa8: {  	s6 =	sshll.u32 @p0 s6, $0xE  }
0xa9: {  	s6 =	sadd.s32 @p0 $0x11B8D, s6;
	s7 =	sshll.u32 @p0 s5, $0x11  }
0xaa: {  	s6 =	sor.u32 @p0 s7, s6  }
0xab: {  	[sflag:s6] =	ssyncadd.remote.s32 @p0 $0x1;
	_ =	sdelay $0x1  }
0xac: {  	s6 =	simm.s32 @p0 $0x1B8D  }
0xad: {  	_ =	swait.eq @p0 [sflag:s6], $0x1  }
0xae: {  	[sflag:s6] =	ssyncadd.s32 @p0 $0xFFFFFFFF  }
0xaf: {  	s7 =	sshll.u32 @!p0 s1, $0xE  }
0xb0: {  	s7 =	sor.u32 @!p0 $0x4000, s7;
	s6 =	simm.s32 @!p0 $0x1B8D  }
0xb1: {  	s5 =	sshll.u32 @!p0 s5, $0x11;
	s7 =	sadd.s32 @!p0 $0x11B8D, s7;
	_ =	swait.eq @!p0 [sflag:s6], $0x1  }
0xb2: {  	s5 =	sor.u32 @!p0 s5, s7;
	[sflag:s6] =	ssyncadd.s32 @!p0 $0xFFFFFFFF  }
0xb3: {  	s25 =	simm.s32 $0x1B8E;
	s24 =	sld [smem:$0x3FFE];
	[sflag:s5] =	ssyncadd.remote.s32 @!p0 $0x1  }
0xb4: {  	s26 =	simm.s32 $execute0_lowered;
	[smem:$0x3FD2] =	sst s25  }
0xb5: {  	s6 =	sshll.u32 s26, $0x1;
	_ =	strace $0x80000049;
	[dreg:$0x1] =	wrdreg $0xFFFFFFFF  }
0xb6: {  	s28 =	simm.s32 $_size_execute0_lowered;
	s4 =	sadd.s32 s4, s6;
	[dreg:$0x0] =	wrdreg $0x0  }
0xb7: {  	s6 =	sshll.u32 s28, $0x1;
	[dreg:$0x2] =	wrdreg s4  }
0xb8: {  	[dreg:$0x3] =	wrdreg s6  }
0xb9: {  	[dreg:$0x4] =	wrdreg $0xC0  }
0xba: {  	_ =	task [dreg:s22], $0x5FFFF  }
0xbb: {  	[dreg:$0x1] =	wrdreg $0xFFFFFFFF  }
0xbc: {  	[dreg:$0x0] =	wrdreg $0x60  }
0xbd: {  	[dreg:$0x2] =	wrdreg s18  }
0xbe: {  	[dreg:$0x3] =	wrdreg s24  }
0xbf: {  	[dreg:$0x4] =	wrdreg $0x9F000  }
0xc0: {  	[dreg:$0x5] =	wrdreg $0xA  }
0xc1: {  	_ =	task.clear_ibuf [dreg:s22], $0x6FFFF;
	_ =	strace $0x90000049  }
0xc2: {  	s29 =	simm.s32 $0xA;
	_ =	strace $0x8000004B  }
0xc3: {  	_ =	swait.ge [sflag:s29], $0x1  }
0xc4: {  	[sflag:s29] =	ssyncadd.s32 $0xFFFFFFFF  }
0xc5: {  	_ =	strace $0x9000004B  }
0xc6: {  	_ =	sfence  }
0xc7: {  	s30 =	sld [smem:$0x0];
	_ =	sdelay $0x2  }
0xc8: {  	s31 =	sshll.u32 s1, $0xD;
	s1 =	sshrl.u32 s1, $0x2  }
0xc9: {  	s4 =	sand.u32 $0x4000, s31;
	s1 =	sadd.s32 s1, s30  }
0xca: {  	s0 =	sor.u32 s4, s0;
	s1 =	sshll.u32 s1, $0x11  }
0xcb: {  	s0 =	sor.u32 s1, s0  }
0xcc: {  	s0 =	sadd.s32 $0x8F2B, s0  }
0xcd: {  	[sflag:s0] =	ssyncadd.remote.s32 $0x1  }
0xce: {  	_ =	sfence.sel $0xFFFF  }
0xcf: {  	[dreg:$0x0] =	wrdreg $0xFFFFFFFF;
	(pc) =	sbr.abs _section_cstart, $3  }
0xd0: {  	[dreg:$0x1] =	wrdreg $0xFFFFFFFF  }
0xd1: {  	_ =	task.clear_ibuf [dreg:s22], $0x2FFFF;
	_ =	strace $0x9FFFFFFF  }
0xd2: {  	(tm) =	ssettm $0x7FFFFFFF  }
0xd3: {  	_ =	shalt  }
tec
execute0_lowered:
.L_overlay_start_1:
0x0: {  	(tag) =	ssettag $0x1  }
0x1: {  	s1 =	rddreg [dreg:$0x0]  }
0x2: {  	s0 =	rddreg [dreg:$0x1]  }
0x3: {  	s3 =	rddreg [dreg:$0x2];
	s4 =	simm.s32 $0x0  }
0x4: {  	s2 =	srdreg.scid;
	s10 =	stileid.u32;
	s16 =	simm.s32 $0x4  }
0x5: {  	s28 =	simm.s32 $0x180;
	s29 =	simm.s32 $0x3;
	s30 =	simm.s32 $0x280  }
0x6: {  	s31 =	simm.s32 $0x0;
	[smem:$0x7FF] =	sst s4;
	s6 =	smul.u32 $0x2800, s10  }
0x7: {  	s2 =	sand.u32 $0x1, s2;
	s5 =	sadd.s32 $0x2000, s0;
	s9 =	smul.u32 $0x50000, s10  }
0x8: {  	s11 =	sadd.s32 $0x1B000, s0;
	s20 =	sshll.u32 s10, $0x5;
	s22 =	sshll.u32 s10, $0x8  }
0x9: {  	s23 =	sshll.u32 s10, $0x6;
	_ =	strace $0x8000004A;
	s7 =	smul.u32 $0x28000, s2  }
0xa: {  	s8 =	ssub.s32 $0x2, s2;
	[dreg:$0x4] =	wrdreg s11;
	s21 =	sshll.u32 s2, $0x9  }
0xb: {  	s2 =	sshll.u32 s2, $0xC;
	s17 =	sshrl.u32 s8, $0x1;
	s19 =	sshrl.u32 s9, $0x2  }
0xc: {  	s2 =	sor.u32 s22, s2;
	s22 =	simm.s32 $0x80;
	s6 =	sadd.s32 s6, s7  }
0xd: {  	s18 =	ssub.s32 s8, s17;
	s13 =	sadd.s32 s19, s3;
	s7 =	sor.u32 s20, s21  }
0xe: {  	s8 =	sor.u32 $0x1C04, s23;
	s24 =	sor.u32 $0x8000, s2;
	s14 =	sor.u32 $0x4000, s2  }
0xf: {  	s17 =	simm.s32 $0x64;
	s19 =	simm.s32 $0x100;
	s20 =	simm.s32 $0x3700  }
0x10: {  	s21 =	simm.s32 $0x1;
	s23 =	simm.s32 $0x5;
	s0 =	sadd.s32 s6, s0  }
0x11: {  	s7 =	sadd.s32 s5, s7;
	s25 =	sshrl.u32 s24, $0x3;
	s11 =	smax.u32 s18, $0x1  }
.Ltmp0:
0x12: {  	s26 =	sshrl.u32 s14, $0x3;
	s15 =	sshrl.u32 s13, $0x3;
	(pc) =	sbr.rel .LBB2_1-.Ltmp0, $4  }
0x13: {  	s18 =	simm.s32 $0x300;
	s24 =	simm.s32 $0x200;
	[dreg:$0x5] =	wrdreg s7  }
0x14: {  	s7 =	sadd.s32 $0x400, s7;
	s0 =	sadd.s32 $0x6D800, s0;
	s12 =	sadd.s32 s25, s5  }
0x15: {  	s14 =	sadd.s32 s26, s5;
	s25 =	simm.s32 $0x6B00;
	[dreg:$0x6] =	wrdreg s7  }
0x16: {  	s26 =	simm.s32 $0x2;
	[dreg:$0x7] =	wrdreg s0;
	s0 =	sor.u32 $0x6000, s2  }
.LBB2_6:
0x17: {  	_ =	swait.ge [sflag:s21], $0x3200  }
0x18: {  	[sflag:s21] =	ssyncset.done $0x0  }
0x19: {  	[sflag:s21] =	ssyncadd.s32 $0xFFFFCE00  }
0x1a: {  	[spmem:s3] =	stream.indirect.scatter.add.f32 [tilespmem:s18], [sflag:$0x5], $0x80, s22, s17, $0xb8;
	[tilespmem:$0x1DF00] =	vst v63  }
0x1b: {  	_ =	swait.ge [sflag:s23], $0x3200  }
0x1c: {  	[sflag:s23] =	ssyncset.done $0x0  }
0x1d: {  	[sflag:s23] =	ssyncadd.s32 $0xFFFFCE00  }
.LBB2_4:
0x1e: {  	s31 =	sadd.s32 $0x1, s31  }
0x1f: {  	[bflag:$0x0] =	sbarrier.arrive $0xFFFF;
	p0 =	sne.s32 s31, s11  }
.Ltmp1:
0x20: {  	s2 =	rddreg [dreg:$0x7];
	(pc) =	sbr.rel @!p0 .LBB2_5-.Ltmp1, $4  }
0x21: {  	[hbm:s2], [sflag:s8] =	dma.local [spmem:s15], $0x2800  }
0x22: {  	_ =	swait.ge [sflag:s16], $0x2800  }
0x23: {  	[sflag:s16] =	ssyncset.done $0x0  }
0x24: {  	[sflag:s16] =	ssyncadd.s32 $0xFFFFD800  }
.LBB2_1:
0x25: {  	s2 =	rddreg [dreg:$0x4]  }
0x26: {  	[spmem:s15], [sflag:s8] =	dma.local [hbm:s2], $0x2800  }
0x27: {  	_ =	swait.ge [sflag:s16], $0x2800  }
0x28: {  	[sflag:s16] =	ssyncset.done $0x0  }
0x29: {  	[sflag:s16] =	ssyncadd.s32 $0xFFFFD800  }
0x2a: {  	[bflag:$0x0] =	sbarrier.arrive $0xFFFF  }
0x2b: {  	s10 =	rddreg [dreg:$0x5]  }
0x2c: {  	[tilespmem:s4], [sflag:$0x4] =	stream.linear.gather [hbm4b:s10+s4], $0x100, $0x38;
	[tilespmem:$0x1DF00] =	vst v63  }
0x2d: {  	_ =	swait.ge [sflag:s16], $0x100  }
0x2e: {  	[sflag:s16] =	ssyncset.done $0x0  }
0x2f: {  	[sflag:s16] =	ssyncadd.s32 $0xFFFFFF00  }
0x30: {  	[tilespmem:s18], [sflag:$0x1] =	stream.indirect.gather [hbm4b:s1+s17], $0x80, s4, s17, $0xb8;
	[tilespmem:$0x1DF00] =	vst v63  }
0x31: {  	s13 =	rddreg [dreg:$0x6]  }
0x32: {  	[tilespmem:s19], [sflag:$0x4] =	stream.linear.gather [hbm4b:s13+s4], $0x100, $0x38;
	[tilespmem:$0x1DF00] =	vst v63  }
0x33: {  	_ =	swait.ge [sflag:s16], $0x100  }
0x34: {  	s6 =	simm.s32 $0x0;
	[sflag:s16] =	ssyncset.done $0x0  }
0x35: {  	s2 =	simm.s32 $0x0;
	s13 =	smov.u32 s0;
	[sflag:s16] =	ssyncadd.s32 $0xFFFFFF00  }
0x36: {  	[tilespmem:s20], [sflag:$0x2] =	stream.indirect.gather [hbm4b:s1+s17], $0x80, s19, s17, $0xb8;
	[tilespmem:$0x1DF00] =	vst v63  }
.LBB2_2:
0x37: {  	p0 =	seq.s32 s2, $0x18C00  }
.Ltmp2:
0x38: {  	_ = 	snop;
	(pc) =	sbr.rel @p0 .LBB2_6-.Ltmp2, $1  }
0x39: {  	_ =	sdelay $0x3  }
0x3a: {  	s9 =	sadd.s32 s2, s14  }
0x3b: {  	[tilespmem:s24], [sflag:$0x5] =	stream.linear.gather [hbm4b:s9+s4], $0x100, $0x38;
	[tilespmem:$0x1DF00] =	vst v63  }
0x3c: {  	_ =	swait.ge [sflag:s23], $0x100  }
0x3d: {  	[sflag:s23] =	ssyncset.done $0x0  }
0x3e: {  	[sflag:s23] =	ssyncadd.s32 $0xFFFFFF00  }
0x3f: {  	[tilespmem:s25], [sflag:$0x3] =	stream.indirect.gather [hbm4b:s1+s17], $0x80, s24, s17, $0xb8;
	[tilespmem:$0x1DF00] =	vst v63  }
0x40: {  	_ =	swait.ge [sflag:s21], $0x3200  }
0x41: {  	[sflag:s21] =	ssyncset.done $0x0  }
0x42: {  	[sflag:s21] =	ssyncadd.s32 $0xFFFFCE00  }
0x43: {  	[spmem:s3] =	stream.indirect.scatter.add.f32 [tilespmem:s18], [sflag:$0x5], $0x80, s22, s17, $0xb8;
	[tilespmem:$0x1DF00] =	vst v63  }
0x44: {  	_ =	swait.ge [sflag:s23], $0x3200  }
0x45: {  	s10 =	sshrl.u32 s13, $0x3;
	[sflag:s23] =	ssyncset.done $0x0  }
0x46: {  	s9 =	sadd.s32 s5, s10;
	[sflag:s23] =	ssyncadd.s32 $0xFFFFCE00  }
0x47: {  	[tilespmem:s4], [sflag:$0x5] =	stream.linear.gather [hbm4b:s9+s4], $0x100, $0x38;
	[tilespmem:$0x1DF00] =	vst v63  }
0x48: {  	_ =	swait.ge [sflag:s23], $0x100  }
0x49: {  	[sflag:s23] =	ssyncset.done $0x0  }
0x4a: {  	[sflag:s23] =	ssyncadd.s32 $0xFFFFFF00  }
0x4b: {  	[tilespmem:s18], [sflag:$0x1] =	stream.indirect.gather [hbm4b:s1+s17], $0x80, s4, s17, $0xb8;
	[tilespmem:$0x1DF00] =	vst v63  }
0x4c: {  	_ =	swait.ge [sflag:s26], $0x3200  }
0x4d: {  	[sflag:s26] =	ssyncset.done $0x0  }
0x4e: {  	[sflag:s26] =	ssyncadd.s32 $0xFFFFCE00  }
0x4f: {  	[spmem:s3] =	stream.indirect.scatter.add.f32 [tilespmem:s20], [sflag:$0x5], $0x80, s28, s17, $0xb8;
	[tilespmem:$0x1DF00] =	vst v63  }
0x50: {  	p0 =	sgt.u32 s6, $0x1F;
	_ =	swait.ge [sflag:s23], $0x3200  }
0x51: {  	s7 =	simm.s32 @!p0 $0x0;
	[sflag:s23] =	ssyncset.done $0x0  }
0x52: {  	s10 =	simm.s32 @!p0 $0x100;
	s9 =	sadd.s32 @!p0 s2, s12;
	[sflag:s23] =	ssyncadd.s32 $0xFFFFCE00  }
0x53: {  	[tilespmem:s10], [sflag:$0x5] =	stream.linear.gather @!p0 [hbm4b:s9+s7], $0x100, $0x38;
	[tilespmem:$0x1DF00] =	vst v63  }
0x54: {  	s7 =	simm.s32 @!p0 $0x5  }
0x55: {  	_ =	swait.ge @!p0 [sflag:s7], $0x100  }
0x56: {  	[sflag:s7] =	ssyncset.done @!p0 $0x0  }
0x57: {  	s9 =	simm.s32 @!p0 $0x3700;
	[sflag:s7] =	ssyncadd.s32 @!p0 $0xFFFFFF00;
	s7 =	simm.s32 @!p0 $0x64  }
0x58: {  	[tilespmem:s9], [sflag:$0x2] =	stream.indirect.gather @!p0 [hbm4b:s1+s7], $0x80, s10, s7, $0xb8;
	[tilespmem:$0x1DF00] =	vst v63  }
0x59: {  	_ =	swait.ge [sflag:s29], $0x3200  }
0x5a: {  	s2 =	sadd.s32 $0xC00, s2;
	[sflag:s29] =	ssyncset.done $0x0  }
0x5b: {  	p0 =	sne.s32 s2, $0x19800;
	[sflag:s29] =	ssyncadd.s32 $0xFFFFCE00  }
0x5c: {  	[spmem:s3] =	stream.indirect.scatter.add.f32 [tilespmem:s25], [sflag:$0x4], $0x80, s30, s17, $0xb8;
	[tilespmem:$0x1DF00] =	vst v63  }
.Ltmp3:
0x5d: {  	_ = 	snop;
	(pc) =	sbr.rel @p0 .LBB2_2-.Ltmp3, $4  }
.Ltmp4:
0x5e: {  	_ = 	snop;
	(pc) =	sbr.rel @!p0 .LBB2_4-.Ltmp4, $4  }
0x5f: {  	_ =	swait.ge [sflag:s16], $0x3200  }
0x60: {  	[sflag:s16] =	ssyncset.done $0x0  }
0x61: {  	s6 =	sadd.s32 $0x1, s6;
	s13 =	sadd.s32 $0x6000, s13;
	[sflag:s16] =	ssyncadd.s32 $0xFFFFCE00  }
0x62: {  	_ = 	snop  }
.LBB2_5:
0x63: {  	_ =	sfence.sel $0x180000  }
0x64: {  	[bflag:$0x0] =	sbarrier.arrive $0xFFFF  }
0x65: {  	_ =	strace $0x9000004A  }
0x66: {  	s0 =	stileid.u32;
	[bflag:$0x2] =	sbarrier.arrive $0xFFFF  }
0x67: {  	p0 =	sne.s32 s0, $0x0;
	s0 =	rddreg [dreg:$0x3]  }
0x68: {  	s0 =	sadd.s32 @!p0 $0x100000, s0  }
0x69: {  	[sflag:s0] =	ssyncadd.tile.s32 @!p0 $0x1;
	_ =	shalt  }
.Lfunc_end2:
_tile_overlayer_lowered:
.L_overlay_start_2:
0x6a: {  	(tag) =	ssettag $0x2  }
0x6b: {  	s0 =	rddreg [dreg:$0x0];
	s2 =	stileid.u32  }
0x6c: {  	s1 =	rddreg [dreg:$0x1];
	p0 =	sne.s32 s2, $0x0  }
0x6d: {  	s3 =	rddreg [dreg:$0x2];
	[bflag:$0x3] =	sbarrier.arrive $0xFFFF;
	s2 =	simm.s32 @!p0 $0x1C04  }
0x6e: {  	[timem:s3], [sflag:s2] =	dma.local @!p0 [hbm:s0], s1  }
0x6f: {  	s0 =	simm.s32 @!p0 $0x4  }
0x70: {  	_ =	swait.ge @!p0 [sflag:s0], s1  }
0x71: {  	s1 =	ssub.s32 @!p0 $0x0, s1;
	[sflag:s0] =	ssyncset.done @!p0 $0x0  }
0x72: {  	[sflag:s0] =	ssyncadd.s32 @!p0 s1  }
0x73: {  	[bflag:$0x3] =	sbarrier.arrive $0xFFFF  }
0x74: {  	_ =	shalt  }

// kernel: kernel.13.cloned.1.call-start
scs
__scs_entry_jumppad:
0x0: {  	(pc) =	sbr.rel $0x88, $3  }
0x1: {  	(tag) =	ssettag $0x0;
	lr =	simm.s32 $0x1  }
0x2: {  	[smem:$0x3F99] =	sst lr;
	_ =	strace $0xD0000000  }
0x3: {  	_ = 	snop  }
0x4: {  	_ = 	snop  }
0x5: {  	_ = 	snop  }
0x6: {  	_ = 	snop  }
0x7: {  	_ = 	snop  }
__scs_overlays_trampoline_lowered:
0x8: {  	[smem:$0x3FA8] =	sst s0  }
0x9: {  	[smem:$0x3FA9] =	sst s1  }
0xa: {  	[smem:$0x3FAA] =	sst s2  }
0xb: {  	[smem:$0x3FAB] =	sst s3  }
0xc: {  	[smem:$0x3FAC] =	sst s4  }
0xd: {  	[smem:$0x3FAD] =	sst s5  }
0xe: {  	[smem:$0x3FAE] =	sst s6  }
0xf: {  	[smem:$0x3FAF] =	sst s7  }
0x10: {  	[smem:$0x3FB0] =	sst s8  }
0x11: {  	[smem:$0x3FB1] =	sst s9;
	s0 =	simm.s32 @!p0 $0x0  }
0x12: {  	s1 =	sld [smem:$0x3F97];
	s0 =	simm.s32 @p0 $0x1  }
0x13: {  	[smem:$0x3FB2] =	sst s0;
	s0 =	simm.s32 @!p1 $0x0  }
0x14: {  	s2 =	sld [smem:$0x3F96];
	s0 =	simm.s32 @p1 $0x1  }
0x15: {  	[smem:$0x3FB3] =	sst s0;
	s0 =	simm.s32 @!p2 $0x0  }
0x16: {  	s3 =	sld [smem:$0x3FDB];
	s0 =	simm.s32 @p2 $0x1  }
0x17: {  	s4 =	simm.s32 $0x1BF5;
	[smem:$0x3FB5] =	sst s0  }
0x18: {  	s0 =	sld [smem:$0x3F98];
	_ =	swait.ge [sflag:s4], $0x0  }
0x19: {  	s7 =	sld [smem:$0x3F99]  }
0x1a: {  	s8 =	sadd.s32 $0xFFFFE003, lr  }
0x1b: {  	s9 =	sadd.s32 $0xFFFFFEF7, lr;
	s5 =	simm.s32 $0xFFFFFFFF;
	p2 =	slt.u32 s8, $0xFFFFF086  }
0x1c: {  	p1 =	slt.u32 s9, $0xF7A;
	s5 =	simm.s32 @!p2 $0x0  }
0x1d: {  	s5 =	simm.s32 @p1 $0x1;
	p0 =	seq.s32 s7, s2  }
0x1e: {  	s7 =	smul.u32 @!p0 $0xF7A, s2;
	p2 =	seq.s32 @!p0 s5, $0x0  }
0x1f: {  	s9 =	smul.u32 $0xF7A, s1;
	s8 =	simm.s32 @!p0 $0x1BF5;
	p2 =	por !p2, p0  }
0x20: {  	[sflag:s8] =	ssyncset.s32 @!p0 $0xFFFFF086;
	s6 =	sadd.s32 @!p0 s3, s7;
	s7 =	simm.s32 @!p0 $0x108  }
0x21: {  	s3 =	sadd.s32 s3, s9;
	s6 =	sadd.s32 @!p0 $0x88, s6;
	s7 =	simm.s32 @p2 $0x1082  }
0x22: {  	[simem:s7], [sflag:s8] =	dma.local @!p0 [hbm:s6], $0xF7A  }
0x23: {  	s9 =	sor.u32 $0xD0000000, s2;
	s6 =	simm.s32 $0x108;
	_ =	swait.ge @!p0 [sflag:s8], $0x0  }
0x24: {  	s3 =	sadd.s32 $0x88, s3;
	s6 =	simm.s32 @!p1 $0x1082;
	[sflag:s4] =	ssyncset.s32 $0xFFFFF086  }
0x25: {  	[simem:s6], [sflag:s4] =	dma.local [hbm:s3], $0xF7A  }
0x26: {  	[smem:$0x3F99] =	sst s1;
	(tag) =	ssettag s2;
	_ =	strace s9  }
0x27: {  	s1 =	sld [smem:$0x3FA9]  }
0x28: {  	s2 =	sld [smem:$0x3FAA]  }
0x29: {  	s4 =	sld [smem:$0x3FAC]  }
0x2a: {  	p0 =	seq.s32 s5, $0x0;
	s5 =	sld [smem:$0x3FAD]  }
0x2b: {  	s6 =	sld [smem:$0x3FAE]  }
0x2c: {  	s7 =	sld [smem:$0x3FAF]  }
0x2d: {  	s3 =	simm.s32 $0x108;
	s8 =	sld [smem:$0x3FB0]  }
0x2e: {  	s3 =	simm.s32 @!p0 $0x1082;
	s9 =	sld [smem:$0x3FB1]  }
0x2f: {  	lr =	sadd.s32 s0, s3;
	s0 =	sld [smem:$0x3FA8]  }
0x30: {  	s3 =	sld [smem:$0x3FAB]  }
0x31: {  	[smem:$0x3FB4] =	sst s10  }
0x32: {  	s10 =	sld [smem:$0x3FB2];
	_ =	sdelay $0x3  }
0x33: {  	p0 =	seq.s32 s10, $0x1;
	s10 =	sld [smem:$0x3FB4];
	_ =	sdelay $0x3  }
0x34: {  	[smem:$0x3FB4] =	sst s10  }
0x35: {  	s10 =	sld [smem:$0x3FB3];
	_ =	sdelay $0x3  }
0x36: {  	p1 =	seq.s32 s10, $0x1;
	s10 =	sld [smem:$0x3FB4];
	_ =	sdelay $0x3  }
0x37: {  	[smem:$0x3FB4] =	sst s10  }
0x38: {  	s10 =	sld [smem:$0x3FB5]  }
0x39: {  	_ = 	snop;
	(pc) =	sbr.ind lr, $3  }
0x3a: {  	_ = 	snop  }
0x3b: {  	_ = 	snop  }
0x3c: {  	p2 =	seq.s32 s10, $0x1;
	s10 =	sld [smem:$0x3FB4]  }
0x3d: {  	_ =	shalt  }
0x3e: {  	_ =	shalt  }
0x3f: {  	_ =	shalt  }
0x40: {  	_ =	shalt  }
0x41: {  	_ =	shalt  }
0x42: {  	_ =	shalt  }
0x43: {  	_ =	shalt  }
0x44: {  	_ =	shalt  }
0x45: {  	_ =	shalt  }
0x46: {  	_ =	shalt  }
0x47: {  	_ =	shalt  }
0x48: {  	_ =	shalt  }
0x49: {  	_ =	shalt  }
0x4a: {  	_ =	shalt  }
0x4b: {  	_ =	shalt  }
0x4c: {  	_ =	shalt  }
0x4d: {  	_ =	shalt  }
0x4e: {  	_ =	shalt  }
0x4f: {  	_ =	shalt  }
0x50: {  	_ =	shalt  }
0x51: {  	_ =	shalt  }
0x52: {  	_ =	shalt  }
0x53: {  	_ =	shalt  }
0x54: {  	_ =	shalt  }
0x55: {  	_ =	shalt  }
0x56: {  	_ =	shalt  }
0x57: {  	_ =	shalt  }
0x58: {  	_ =	shalt  }
0x59: {  	_ =	shalt  }
0x5a: {  	_ =	shalt  }
0x5b: {  	_ =	shalt  }
0x5c: {  	_ =	shalt  }
0x5d: {  	_ =	shalt  }
0x5e: {  	_ =	shalt  }
0x5f: {  	_ =	shalt  }
0x60: {  	_ =	shalt  }
0x61: {  	_ =	shalt  }
0x62: {  	_ =	shalt  }
0x63: {  	_ =	shalt  }
0x64: {  	_ =	shalt  }
0x65: {  	_ =	shalt  }
0x66: {  	_ =	shalt  }
0x67: {  	_ =	shalt  }
0x68: {  	_ =	shalt  }
0x69: {  	_ =	shalt  }
0x6a: {  	_ =	shalt  }
0x6b: {  	_ =	shalt  }
0x6c: {  	_ =	shalt  }
0x6d: {  	_ =	shalt  }
0x6e: {  	_ =	shalt  }
0x6f: {  	_ =	shalt  }
0x70: {  	_ =	shalt  }
0x71: {  	_ =	shalt  }
0x72: {  	_ =	shalt  }
0x73: {  	_ =	shalt  }
0x74: {  	_ =	shalt  }
0x75: {  	_ =	shalt  }
0x76: {  	_ =	shalt  }
0x77: {  	_ =	shalt  }
0x78: {  	_ =	shalt  }
0x79: {  	_ =	shalt  }
0x7a: {  	_ =	shalt  }
0x7b: {  	_ =	shalt  }
0x7c: {  	_ =	shalt  }
0x7d: {  	_ =	shalt  }
0x7e: {  	_ =	shalt  }
0x7f: {  	_ =	shalt  }
0x80: {  	_ =	shalt  }
0x81: {  	_ =	shalt  }
0x82: {  	_ =	shalt  }
0x83: {  	_ =	shalt  }
0x84: {  	_ =	shalt  }
0x85: {  	_ =	shalt  }
0x86: {  	_ =	shalt  }
0x87: {  	_ =	shalt  }
.Lfunc_end0:
.L_simem_size_0:
called_computation.2_lowered:
.L_overlay_start_0:
0x88: {  	s2 =	sld [smem:$0x3FD9]  }
0x89: {  	s3 =	sld [smem:$0x3FFE];
	_ =	sdelay $0x1  }
0x8a: {  	s1 =	srdreg.scid  }
0x8b: {  	s0 =	sand.u32 $0x1, s1  }
0x8c: {  	s17 =	sshll.u32 s0, $0xA;
	s2 =	sadd.s32 s3, s2  }
0x8d: {  	s2 =	sadd.s32 s2, s17  }
0x8e: {  	[smem:$0x3FC0] =	sst s2  }
0x8f: {  	_ = 	snop  }
0x90: {  	s2 =	sld [smem:$0x3FD0];
	(tm) =	ssettm $0x1  }
0x91: {  	s18 =	sld [smem:$0x3FFB];
	_ =	sdelay $0x3  }
0x92: {  	_ =	strace s18  }
0x93: {  	s3 =	sld [smem:$0x3FFC];
	_ =	sdelay $0x3  }
0x94: {  	_ =	strace s3  }
0x95: {  	s3 =	sld [smem:$0x3FFD];
	_ =	sdelay $0x3  }
0x96: {  	_ =	strace s3  }
0x97: {  	_ =	strace $0x8FFFFFFF  }
0x98: {  	s19 =	sld [smem:$0x3FDB];
	_ =	sdelay $0x1  }
0x99: {  	s4 =	simm.s32 $_scs_section_size  }
0x9a: {  	s5 =	simm.s32 $_size__tile_overlayer_lowered;
	s6 =	simm.s32 $_tile_overlayer_lowered  }
0x9b: {  	s22 =	simm.s32 $0x1BFF;
	s21 =	sshll.u32 s6, $0x1;
	s3 =	sadd.s32 s4, s19  }
0x9c: {  	s7 =	simm.s32 $0x0;
	s20 =	sshll.u32 s5, $0x1;
	s5 =	sadd.s32 s21, s3  }
0x9d: {  	[timem:s7], [sflag:s22] =	dma.local [hbm:s5], s20  }
0x9e: {  	_ =	swait.ge [sflag:s22], s20  }
0x9f: {  	s4 =	ssub.s32 $0x0, s20;
	[sflag:s22] =	ssyncset.done $0x0  }
0xa0: {  	[sflag:s22] =	ssyncadd.s32 s4;
	_ =	sdelay $0x1  }
0xa1: {  	s23 =	simm.s32 $0x1B8B  }
0xa2: {  	_ =	swait.ge [sflag:s23], $0x1  }
0xa3: {  	[sflag:s23] =	ssyncset.done $0x0  }
0xa4: {  	s25 =	simm.s32 $0x1B8E;
	s24 =	sld [smem:$0x3FFE];
	[sflag:s23] =	ssyncadd.s32 $0xFFFFFFFF  }
0xa5: {  	s26 =	simm.s32 $execute0_lowered;
	[smem:$0x3FD2] =	sst s25  }
0xa6: {  	s5 =	sshll.u32 s26, $0x1;
	_ =	strace $0x8000004C;
	[dreg:$0x1] =	wrdreg $0xFFFFFFFF  }
0xa7: {  	s28 =	simm.s32 $_size_execute0_lowered;
	s3 =	sadd.s32 s3, s5;
	[dreg:$0x0] =	wrdreg $0x0  }
0xa8: {  	s5 =	sshll.u32 s28, $0x1;
	[dreg:$0x2] =	wrdreg s3  }
0xa9: {  	[dreg:$0x3] =	wrdreg s5  }
0xaa: {  	[dreg:$0x4] =	wrdreg $0xC0  }
0xab: {  	_ =	task [dreg:s7], $0x5FFFF  }
0xac: {  	[dreg:$0x1] =	wrdreg $0xFFFFFFFF  }
0xad: {  	[dreg:$0x0] =	wrdreg $0x60  }
0xae: {  	[dreg:$0x2] =	wrdreg s2  }
0xaf: {  	[dreg:$0x3] =	wrdreg s24  }
0xb0: {  	[dreg:$0x4] =	wrdreg $0x9F000  }
0xb1: {  	[dreg:$0x5] =	wrdreg $0x9  }
0xb2: {  	_ =	task.clear_ibuf [dreg:s7], $0x6FFFF;
	_ =	strace $0x9000004C  }
0xb3: {  	s29 =	simm.s32 $0x9;
	_ =	strace $0x8000004E  }
0xb4: {  	_ =	swait.ge [sflag:s29], $0x1  }
0xb5: {  	[sflag:s29] =	ssyncadd.s32 $0xFFFFFFFF  }
0xb6: {  	_ =	strace $0x9000004E  }
0xb7: {  	_ =	sfence  }
0xb8: {  	s30 =	sld [smem:$0x0];
	_ =	sdelay $0x2  }
0xb9: {  	s31 =	sshll.u32 s1, $0xD;
	s1 =	sshrl.u32 s1, $0x2  }
0xba: {  	s3 =	sand.u32 $0x4000, s31;
	s1 =	sadd.s32 s1, s30  }
0xbb: {  	s0 =	sor.u32 s3, s0;
	s1 =	sshll.u32 s1, $0x11  }
0xbc: {  	s0 =	sor.u32 s1, s0  }
0xbd: {  	s0 =	sadd.s32 $0x8F2B, s0  }
0xbe: {  	[sflag:s0] =	ssyncadd.remote.s32 $0x1  }
0xbf: {  	_ =	sfence.sel $0xFFFF  }
0xc0: {  	[dreg:$0x0] =	wrdreg $0xFFFFFFFF;
	(pc) =	sbr.abs _section_cstart, $3  }
0xc1: {  	[dreg:$0x1] =	wrdreg $0xFFFFFFFF  }
0xc2: {  	_ =	task.clear_ibuf [dreg:s7], $0x2FFFF;
	_ =	strace $0x9FFFFFFF  }
0xc3: {  	(tm) =	ssettm $0x7FFFFFFF  }
tec
execute0_lowered:
.L_overlay_start_1:
0x0: {  	(tag) =	ssettag $0x1  }
0x1: {  	s1 =	rddreg [dreg:$0x0]  }
0x2: {  	s0 =	rddreg [dreg:$0x1]  }
0x3: {  	s3 =	rddreg [dreg:$0x2];
	s4 =	simm.s32 $0x0  }
0x4: {  	s2 =	srdreg.scid;
	s10 =	stileid.u32;
	s16 =	simm.s32 $0x4  }
0x5: {  	s28 =	simm.s32 $0x180;
	s29 =	simm.s32 $0x3;
	s30 =	simm.s32 $0x280  }
0x6: {  	s31 =	simm.s32 $0x0;
	[smem:$0x7FF] =	sst s4;
	s6 =	smul.u32 $0x2800, s10  }
0x7: {  	s2 =	sand.u32 $0x1, s2;
	s5 =	sadd.s32 $0x2000, s0;
	s9 =	smul.u32 $0x50000, s10  }
0x8: {  	s11 =	sadd.s32 $0x1B000, s0;
	s20 =	sshll.u32 s10, $0x5;
	s22 =	sshll.u32 s10, $0x8  }
0x9: {  	s23 =	sshll.u32 s10, $0x6;
	_ =	strace $0x8000004D;
	s7 =	smul.u32 $0x28000, s2  }
0xa: {  	s8 =	ssub.s32 $0x2, s2;
	[dreg:$0x4] =	wrdreg s11;
	s21 =	sshll.u32 s2, $0x9  }
0xb: {  	s2 =	sshll.u32 s2, $0xC;
	s17 =	sshrl.u32 s8, $0x1;
	s19 =	sshrl.u32 s9, $0x2  }
0xc: {  	s2 =	sor.u32 s22, s2;
	s22 =	simm.s32 $0x80;
	s6 =	sadd.s32 s6, s7  }
0xd: {  	s18 =	ssub.s32 s8, s17;
	s13 =	sadd.s32 s19, s3;
	s7 =	sor.u32 s20, s21  }
0xe: {  	s8 =	sor.u32 $0x1C04, s23;
	s24 =	sor.u32 $0x8000, s2;
	s14 =	sor.u32 $0x4000, s2  }
0xf: {  	s17 =	simm.s32 $0x64;
	s19 =	simm.s32 $0x100;
	s20 =	simm.s32 $0x3700  }
0x10: {  	s21 =	simm.s32 $0x1;
	s23 =	simm.s32 $0x5;
	s0 =	sadd.s32 s6, s0  }
0x11: {  	s7 =	sadd.s32 s5, s7;
	s25 =	sshrl.u32 s24, $0x3;
	s11 =	smax.u32 s18, $0x1  }
.Ltmp0:
0x12: {  	s26 =	sshrl.u32 s14, $0x3;
	s15 =	sshrl.u32 s13, $0x3;
	(pc) =	sbr.rel .LBB2_1-.Ltmp0, $4  }
0x13: {  	s18 =	simm.s32 $0x300;
	s24 =	simm.s32 $0x200;
	[dreg:$0x5] =	wrdreg s7  }
0x14: {  	s7 =	sadd.s32 $0x400, s7;
	s0 =	sadd.s32 $0x6D800, s0;
	s12 =	sadd.s32 s25, s5  }
0x15: {  	s14 =	sadd.s32 s26, s5;
	s25 =	simm.s32 $0x6B00;
	[dreg:$0x6] =	wrdreg s7  }
0x16: {  	s26 =	simm.s32 $0x2;
	[dreg:$0x7] =	wrdreg s0;
	s0 =	sor.u32 $0x6000, s2  }
.LBB2_6:
0x17: {  	_ =	swait.ge [sflag:s21], $0x3200  }
0x18: {  	[sflag:s21] =	ssyncset.done $0x0  }
0x19: {  	[sflag:s21] =	ssyncadd.s32 $0xFFFFCE00  }
0x1a: {  	[spmem:s3] =	stream.indirect.scatter.add.f32 [tilespmem:s18], [sflag:$0x5], $0x80, s22, s17, $0xb8;
	[tilespmem:$0x1DF00] =	vst v63  }
0x1b: {  	_ =	swait.ge [sflag:s23], $0x3200  }
0x1c: {  	[sflag:s23] =	ssyncset.done $0x0  }
0x1d: {  	[sflag:s23] =	ssyncadd.s32 $0xFFFFCE00  }
.LBB2_4:
0x1e: {  	s31 =	sadd.s32 $0x1, s31  }
0x1f: {  	[bflag:$0x0] =	sbarrier.arrive $0xFFFF;
	p0 =	sne.s32 s31, s11  }
.Ltmp1:
0x20: {  	s2 =	rddreg [dreg:$0x7];
	(pc) =	sbr.rel @!p0 .LBB2_5-.Ltmp1, $4  }
0x21: {  	[hbm:s2], [sflag:s8] =	dma.local [spmem:s15], $0x2800  }
0x22: {  	_ =	swait.ge [sflag:s16], $0x2800  }
0x23: {  	[sflag:s16] =	ssyncset.done $0x0  }
0x24: {  	[sflag:s16] =	ssyncadd.s32 $0xFFFFD800  }
.LBB2_1:
0x25: {  	s2 =	rddreg [dreg:$0x4]  }
0x26: {  	[spmem:s15], [sflag:s8] =	dma.local [hbm:s2], $0x2800  }
0x27: {  	_ =	swait.ge [sflag:s16], $0x2800  }
0x28: {  	[sflag:s16] =	ssyncset.done $0x0  }
0x29: {  	[sflag:s16] =	ssyncadd.s32 $0xFFFFD800  }
0x2a: {  	[bflag:$0x0] =	sbarrier.arrive $0xFFFF  }
0x2b: {  	s10 =	rddreg [dreg:$0x5]  }
0x2c: {  	[tilespmem:s4], [sflag:$0x4] =	stream.linear.gather [hbm4b:s10+s4], $0x100, $0x38;
	[tilespmem:$0x1DF00] =	vst v63  }
0x2d: {  	_ =	swait.ge [sflag:s16], $0x100  }
0x2e: {  	[sflag:s16] =	ssyncset.done $0x0  }
0x2f: {  	[sflag:s16] =	ssyncadd.s32 $0xFFFFFF00  }
0x30: {  	[tilespmem:s18], [sflag:$0x1] =	stream.indirect.gather [hbm4b:s1+s17], $0x80, s4, s17, $0xb8;
	[tilespmem:$0x1DF00] =	vst v63  }
0x31: {  	s13 =	rddreg [dreg:$0x6]  }
0x32: {  	[tilespmem:s19], [sflag:$0x4] =	stream.linear.gather [hbm4b:s13+s4], $0x100, $0x38;
	[tilespmem:$0x1DF00] =	vst v63  }
0x33: {  	_ =	swait.ge [sflag:s16], $0x100  }
0x34: {  	s6 =	simm.s32 $0x0;
	[sflag:s16] =	ssyncset.done $0x0  }
0x35: {  	s2 =	simm.s32 $0x0;
	s13 =	smov.u32 s0;
	[sflag:s16] =	ssyncadd.s32 $0xFFFFFF00  }
0x36: {  	[tilespmem:s20], [sflag:$0x2] =	stream.indirect.gather [hbm4b:s1+s17], $0x80, s19, s17, $0xb8;
	[tilespmem:$0x1DF00] =	vst v63  }
.LBB2_2:
0x37: {  	p0 =	seq.s32 s2, $0x18C00  }
.Ltmp2:
0x38: {  	_ = 	snop;
	(pc) =	sbr.rel @p0 .LBB2_6-.Ltmp2, $1  }
0x39: {  	_ =	sdelay $0x3  }
0x3a: {  	s9 =	sadd.s32 s2, s14  }
0x3b: {  	[tilespmem:s24], [sflag:$0x5] =	stream.linear.gather [hbm4b:s9+s4], $0x100, $0x38;
	[tilespmem:$0x1DF00] =	vst v63  }
0x3c: {  	_ =	swait.ge [sflag:s23], $0x100  }
0x3d: {  	[sflag:s23] =	ssyncset.done $0x0  }
0x3e: {  	[sflag:s23] =	ssyncadd.s32 $0xFFFFFF00  }
0x3f: {  	[tilespmem:s25], [sflag:$0x3] =	stream.indirect.gather [hbm4b:s1+s17], $0x80, s24, s17, $0xb8;
	[tilespmem:$0x1DF00] =	vst v63  }
0x40: {  	_ =	swait.ge [sflag:s21], $0x3200  }
0x41: {  	[sflag:s21] =	ssyncset.done $0x0  }
0x42: {  	[sflag:s21] =	ssyncadd.s32 $0xFFFFCE00  }
0x43: {  	[spmem:s3] =	stream.indirect.scatter.add.f32 [tilespmem:s18], [sflag:$0x5], $0x80, s22, s17, $0xb8;
	[tilespmem:$0x1DF00] =	vst v63  }
0x44: {  	_ =	swait.ge [sflag:s23], $0x3200  }
0x45: {  	s10 =	sshrl.u32 s13, $0x3;
	[sflag:s23] =	ssyncset.done $0x0  }
0x46: {  	s9 =	sadd.s32 s5, s10;
	[sflag:s23] =	ssyncadd.s32 $0xFFFFCE00  }
0x47: {  	[tilespmem:s4], [sflag:$0x5] =	stream.linear.gather [hbm4b:s9+s4], $0x100, $0x38;
	[tilespmem:$0x1DF00] =	vst v63  }
0x48: {  	_ =	swait.ge [sflag:s23], $0x100  }
0x49: {  	[sflag:s23] =	ssyncset.done $0x0  }
0x4a: {  	[sflag:s23] =	ssyncadd.s32 $0xFFFFFF00  }
0x4b: {  	[tilespmem:s18], [sflag:$0x1] =	stream.indirect.gather [hbm4b:s1+s17], $0x80, s4, s17, $0xb8;
	[tilespmem:$0x1DF00] =	vst v63  }
0x4c: {  	_ =	swait.ge [sflag:s26], $0x3200  }
0x4d: {  	[sflag:s26] =	ssyncset.done $0x0  }
0x4e: {  	[sflag:s26] =	ssyncadd.s32 $0xFFFFCE00  }
0x4f: {  	[spmem:s3] =	stream.indirect.scatter.add.f32 [tilespmem:s20], [sflag:$0x5], $0x80, s28, s17, $0xb8;
	[tilespmem:$0x1DF00] =	vst v63  }
0x50: {  	p0 =	sgt.u32 s6, $0x1F;
	_ =	swait.ge [sflag:s23], $0x3200  }
0x51: {  	s7 =	simm.s32 @!p0 $0x0;
	[sflag:s23] =	ssyncset.done $0x0  }
0x52: {  	s10 =	simm.s32 @!p0 $0x100;
	s9 =	sadd.s32 @!p0 s2, s12;
	[sflag:s23] =	ssyncadd.s32 $0xFFFFCE00  }
0x53: {  	[tilespmem:s10], [sflag:$0x5] =	stream.linear.gather @!p0 [hbm4b:s9+s7], $0x100, $0x38;
	[tilespmem:$0x1DF00] =	vst v63  }
0x54: {  	s7 =	simm.s32 @!p0 $0x5  }
0x55: {  	_ =	swait.ge @!p0 [sflag:s7], $0x100  }
0x56: {  	[sflag:s7] =	ssyncset.done @!p0 $0x0  }
0x57: {  	s9 =	simm.s32 @!p0 $0x3700;
	[sflag:s7] =	ssyncadd.s32 @!p0 $0xFFFFFF00;
	s7 =	simm.s32 @!p0 $0x64  }
0x58: {  	[tilespmem:s9], [sflag:$0x2] =	stream.indirect.gather @!p0 [hbm4b:s1+s7], $0x80, s10, s7, $0xb8;
	[tilespmem:$0x1DF00] =	vst v63  }
0x59: {  	_ =	swait.ge [sflag:s29], $0x3200  }
0x5a: {  	s2 =	sadd.s32 $0xC00, s2;
	[sflag:s29] =	ssyncset.done $0x0  }
0x5b: {  	p0 =	sne.s32 s2, $0x19800;
	[sflag:s29] =	ssyncadd.s32 $0xFFFFCE00  }
0x5c: {  	[spmem:s3] =	stream.indirect.scatter.add.f32 [tilespmem:s25], [sflag:$0x4], $0x80, s30, s17, $0xb8;
	[tilespmem:$0x1DF00] =	vst v63  }
.Ltmp3:
0x5d: {  	_ = 	snop;
	(pc) =	sbr.rel @p0 .LBB2_2-.Ltmp3, $4  }
.Ltmp4:
0x5e: {  	_ = 	snop;
	(pc) =	sbr.rel @!p0 .LBB2_4-.Ltmp4, $4  }
0x5f: {  	_ =	swait.ge [sflag:s16], $0x3200  }
0x60: {  	[sflag:s16] =	ssyncset.done $0x0  }
0x61: {  	s6 =	sadd.s32 $0x1, s6;
	s13 =	sadd.s32 $0x6000, s13;
	[sflag:s16] =	ssyncadd.s32 $0xFFFFCE00  }
0x62: {  	_ = 	snop  }
.LBB2_5:
0x63: {  	_ =	sfence.sel $0x180000  }
0x64: {  	[bflag:$0x0] =	sbarrier.arrive $0xFFFF  }
0x65: {  	_ =	strace $0x9000004D  }
0x66: {  	s0 =	stileid.u32;
	[bflag:$0x2] =	sbarrier.arrive $0xFFFF  }
0x67: {  	p0 =	sne.s32 s0, $0x0;
	s0 =	rddreg [dreg:$0x3]  }
0x68: {  	s0 =	sadd.s32 @!p0 $0x100000, s0  }
0x69: {  	[sflag:s0] =	ssyncadd.tile.s32 @!p0 $0x1;
	_ =	shalt  }
.Lfunc_end2:
_tile_overlayer_lowered:
.L_overlay_start_2:
0x6a: {  	(tag) =	ssettag $0x2  }
0x6b: {  	s0 =	rddreg [dreg:$0x0];
	s2 =	stileid.u32  }
0x6c: {  	s1 =	rddreg [dreg:$0x1];
	p0 =	sne.s32 s2, $0x0  }
0x6d: {  	s3 =	rddreg [dreg:$0x2];
	[bflag:$0x3] =	sbarrier.arrive $0xFFFF;
	s2 =	simm.s32 @!p0 $0x1C04  }
0x6e: {  	[timem:s3], [sflag:s2] =	dma.local @!p0 [hbm:s0], s1  }
0x6f: {  	s0 =	simm.s32 @!p0 $0x4  }
0x70: {  	_ =	swait.ge @!p0 [sflag:s0], s1  }
0x71: {  	s1 =	ssub.s32 @!p0 $0x0, s1;
	[sflag:s0] =	ssyncset.done @!p0 $0x0  }
0x72: {  	[sflag:s0] =	ssyncadd.s32 @!p0 s1  }
0x73: {  	[bflag:$0x3] =	sbarrier.arrive $0xFFFF  }
0x74: {  	_ =	shalt  }

// kernel: kernel.7.cloned.1.call-start
scs
__scs_entry_jumppad:
0x0: {  	(pc) =	sbr.rel $0x88, $3  }
0x1: {  	(tag) =	ssettag $0x0;
	lr =	simm.s32 $0x1  }
0x2: {  	[smem:$0x3F99] =	sst lr;
	_ =	strace $0xD0000000  }
0x3: {  	_ = 	snop  }
0x4: {  	_ = 	snop  }
0x5: {  	_ = 	snop  }
0x6: {  	_ = 	snop  }
0x7: {  	_ = 	snop  }
__scs_overlays_trampoline_lowered:
0x8: {  	[smem:$0x3FA8] =	sst s0  }
0x9: {  	[smem:$0x3FA9] =	sst s1  }
0xa: {  	[smem:$0x3FAA] =	sst s2  }
0xb: {  	[smem:$0x3FAB] =	sst s3  }
0xc: {  	[smem:$0x3FAC] =	sst s4  }
0xd: {  	[smem:$0x3FAD] =	sst s5  }
0xe: {  	[smem:$0x3FAE] =	sst s6  }
0xf: {  	[smem:$0x3FAF] =	sst s7  }
0x10: {  	[smem:$0x3FB0] =	sst s8  }
0x11: {  	[smem:$0x3FB1] =	sst s9;
	s0 =	simm.s32 @!p0 $0x0  }
0x12: {  	s1 =	sld [smem:$0x3F97];
	s0 =	simm.s32 @p0 $0x1  }
0x13: {  	[smem:$0x3FB2] =	sst s0;
	s0 =	simm.s32 @!p1 $0x0  }
0x14: {  	s2 =	sld [smem:$0x3F96];
	s0 =	simm.s32 @p1 $0x1  }
0x15: {  	[smem:$0x3FB3] =	sst s0;
	s0 =	simm.s32 @!p2 $0x0  }
0x16: {  	s3 =	sld [smem:$0x3FDB];
	s0 =	simm.s32 @p2 $0x1  }
0x17: {  	s4 =	simm.s32 $0x1BF5;
	[smem:$0x3FB5] =	sst s0  }
0x18: {  	s0 =	sld [smem:$0x3F98];
	_ =	swait.ge [sflag:s4], $0x0  }
0x19: {  	s7 =	sld [smem:$0x3F99]  }
0x1a: {  	s8 =	sadd.s32 $0xFFFFE003, lr  }
0x1b: {  	s9 =	sadd.s32 $0xFFFFFEF7, lr;
	s5 =	simm.s32 $0xFFFFFFFF;
	p2 =	slt.u32 s8, $0xFFFFF086  }
0x1c: {  	p1 =	slt.u32 s9, $0xF7A;
	s5 =	simm.s32 @!p2 $0x0  }
0x1d: {  	s5 =	simm.s32 @p1 $0x1;
	p0 =	seq.s32 s7, s2  }
0x1e: {  	s7 =	smul.u32 @!p0 $0xF7A, s2;
	p2 =	seq.s32 @!p0 s5, $0x0  }
0x1f: {  	s9 =	smul.u32 $0xF7A, s1;
	s8 =	simm.s32 @!p0 $0x1BF5;
	p2 =	por !p2, p0  }
0x20: {  	[sflag:s8] =	ssyncset.s32 @!p0 $0xFFFFF086;
	s6 =	sadd.s32 @!p0 s3, s7;
	s7 =	simm.s32 @!p0 $0x108  }
0x21: {  	s3 =	sadd.s32 s3, s9;
	s6 =	sadd.s32 @!p0 $0x88, s6;
	s7 =	simm.s32 @p2 $0x1082  }
0x22: {  	[simem:s7], [sflag:s8] =	dma.local @!p0 [hbm:s6], $0xF7A  }
0x23: {  	s9 =	sor.u32 $0xD0000000, s2;
	s6 =	simm.s32 $0x108;
	_ =	swait.ge @!p0 [sflag:s8], $0x0  }
0x24: {  	s3 =	sadd.s32 $0x88, s3;
	s6 =	simm.s32 @!p1 $0x1082;
	[sflag:s4] =	ssyncset.s32 $0xFFFFF086  }
0x25: {  	[simem:s6], [sflag:s4] =	dma.local [hbm:s3], $0xF7A  }
0x26: {  	[smem:$0x3F99] =	sst s1;
	(tag) =	ssettag s2;
	_ =	strace s9  }
0x27: {  	s1 =	sld [smem:$0x3FA9]  }
0x28: {  	s2 =	sld [smem:$0x3FAA]  }
0x29: {  	s4 =	sld [smem:$0x3FAC]  }
0x2a: {  	p0 =	seq.s32 s5, $0x0;
	s5 =	sld [smem:$0x3FAD]  }
0x2b: {  	s6 =	sld [smem:$0x3FAE]  }
0x2c: {  	s7 =	sld [smem:$0x3FAF]  }
0x2d: {  	s3 =	simm.s32 $0x108;
	s8 =	sld [smem:$0x3FB0]  }
0x2e: {  	s3 =	simm.s32 @!p0 $0x1082;
	s9 =	sld [smem:$0x3FB1]  }
0x2f: {  	lr =	sadd.s32 s0, s3;
	s0 =	sld [smem:$0x3FA8]  }
0x30: {  	s3 =	sld [smem:$0x3FAB]  }
0x31: {  	[smem:$0x3FB4] =	sst s10  }
0x32: {  	s10 =	sld [smem:$0x3FB2];
	_ =	sdelay $0x3  }
0x33: {  	p0 =	seq.s32 s10, $0x1;
	s10 =	sld [smem:$0x3FB4];
	_ =	sdelay $0x3  }
0x34: {  	[smem:$0x3FB4] =	sst s10  }
0x35: {  	s10 =	sld [smem:$0x3FB3];
	_ =	sdelay $0x3  }
0x36: {  	p1 =	seq.s32 s10, $0x1;
	s10 =	sld [smem:$0x3FB4];
	_ =	sdelay $0x3  }
0x37: {  	[smem:$0x3FB4] =	sst s10  }
0x38: {  	s10 =	sld [smem:$0x3FB5]  }
0x39: {  	_ = 	snop;
	(pc) =	sbr.ind lr, $3  }
0x3a: {  	_ = 	snop  }
0x3b: {  	_ = 	snop  }
0x3c: {  	p2 =	seq.s32 s10, $0x1;
	s10 =	sld [smem:$0x3FB4]  }
0x3d: {  	_ =	shalt  }
0x3e: {  	_ =	shalt  }
0x3f: {  	_ =	shalt  }
0x40: {  	_ =	shalt  }
0x41: {  	_ =	shalt  }
0x42: {  	_ =	shalt  }
0x43: {  	_ =	shalt  }
0x44: {  	_ =	shalt  }
0x45: {  	_ =	shalt  }
0x46: {  	_ =	shalt  }
0x47: {  	_ =	shalt  }
0x48: {  	_ =	shalt  }
0x49: {  	_ =	shalt  }
0x4a: {  	_ =	shalt  }
0x4b: {  	_ =	shalt  }
0x4c: {  	_ =	shalt  }
0x4d: {  	_ =	shalt  }
0x4e: {  	_ =	shalt  }
0x4f: {  	_ =	shalt  }
0x50: {  	_ =	shalt  }
0x51: {  	_ =	shalt  }
0x52: {  	_ =	shalt  }
0x53: {  	_ =	shalt  }
0x54: {  	_ =	shalt  }
0x55: {  	_ =	shalt  }
0x56: {  	_ =	shalt  }
0x57: {  	_ =	shalt  }
0x58: {  	_ =	shalt  }
0x59: {  	_ =	shalt  }
0x5a: {  	_ =	shalt  }
0x5b: {  	_ =	shalt  }
0x5c: {  	_ =	shalt  }
0x5d: {  	_ =	shalt  }
0x5e: {  	_ =	shalt  }
0x5f: {  	_ =	shalt  }
0x60: {  	_ =	shalt  }
0x61: {  	_ =	shalt  }
0x62: {  	_ =	shalt  }
0x63: {  	_ =	shalt  }
0x64: {  	_ =	shalt  }
0x65: {  	_ =	shalt  }
0x66: {  	_ =	shalt  }
0x67: {  	_ =	shalt  }
0x68: {  	_ =	shalt  }
0x69: {  	_ =	shalt  }
0x6a: {  	_ =	shalt  }
0x6b: {  	_ =	shalt  }
0x6c: {  	_ =	shalt  }
0x6d: {  	_ =	shalt  }
0x6e: {  	_ =	shalt  }
0x6f: {  	_ =	shalt  }
0x70: {  	_ =	shalt  }
0x71: {  	_ =	shalt  }
0x72: {  	_ =	shalt  }
0x73: {  	_ =	shalt  }
0x74: {  	_ =	shalt  }
0x75: {  	_ =	shalt  }
0x76: {  	_ =	shalt  }
0x77: {  	_ =	shalt  }
0x78: {  	_ =	shalt  }
0x79: {  	_ =	shalt  }
0x7a: {  	_ =	shalt  }
0x7b: {  	_ =	shalt  }
0x7c: {  	_ =	shalt  }
0x7d: {  	_ =	shalt  }
0x7e: {  	_ =	shalt  }
0x7f: {  	_ =	shalt  }
0x80: {  	_ =	shalt  }
0x81: {  	_ =	shalt  }
0x82: {  	_ =	shalt  }
0x83: {  	_ =	shalt  }
0x84: {  	_ =	shalt  }
0x85: {  	_ =	shalt  }
0x86: {  	_ =	shalt  }
0x87: {  	_ =	shalt  }
.Lfunc_end0:
.L_simem_size_0:
called_computation_lowered:
.L_overlay_start_0:
0x88: {  	s2 =	sld [smem:$0x3FD9]  }
0x89: {  	s3 =	sld [smem:$0x3FFE];
	_ =	sdelay $0x1  }
0x8a: {  	s1 =	srdreg.scid  }
0x8b: {  	s0 =	sand.u32 $0x1, s1  }
0x8c: {  	s17 =	sshll.u32 s0, $0xA;
	s2 =	sadd.s32 s3, s2  }
0x8d: {  	s2 =	sadd.s32 s2, s17  }
0x8e: {  	[smem:$0x3FC0] =	sst s2  }
0x8f: {  	_ = 	snop  }
0x90: {  	s2 =	sld [smem:$0x3FD0];
	(tm) =	ssettm $0x1  }
0x91: {  	s18 =	sld [smem:$0x3FFB];
	_ =	sdelay $0x3  }
0x92: {  	_ =	strace s18  }
0x93: {  	s3 =	sld [smem:$0x3FFC];
	_ =	sdelay $0x3  }
0x94: {  	_ =	strace s3  }
0x95: {  	s3 =	sld [smem:$0x3FFD];
	_ =	sdelay $0x3  }
0x96: {  	_ =	strace s3  }
0x97: {  	_ =	strace $0x8FFFFFFF  }
0x98: {  	s19 =	sld [smem:$0x3FDB];
	_ =	sdelay $0x1  }
0x99: {  	s4 =	simm.s32 $_scs_section_size  }
0x9a: {  	s5 =	simm.s32 $_size__tile_overlayer_lowered;
	s6 =	simm.s32 $_tile_overlayer_lowered  }
0x9b: {  	s22 =	simm.s32 $0x1BFF;
	s21 =	sshll.u32 s6, $0x1;
	s3 =	sadd.s32 s4, s19  }
0x9c: {  	s7 =	simm.s32 $0x0;
	s20 =	sshll.u32 s5, $0x1;
	s5 =	sadd.s32 s21, s3  }
0x9d: {  	[timem:s7], [sflag:s22] =	dma.local [hbm:s5], s20  }
0x9e: {  	_ =	swait.ge [sflag:s22], s20  }
0x9f: {  	s4 =	ssub.s32 $0x0, s20;
	[sflag:s22] =	ssyncset.done $0x0  }
0xa0: {  	[sflag:s22] =	ssyncadd.s32 s4;
	_ =	sdelay $0x1  }
0xa1: {  	s23 =	simm.s32 $0x1B8B  }
0xa2: {  	_ =	swait.ge [sflag:s23], $0x1  }
0xa3: {  	[sflag:s23] =	ssyncset.done $0x0  }
0xa4: {  	s25 =	simm.s32 $0x1B8E;
	s24 =	sld [smem:$0x3FFE];
	[sflag:s23] =	ssyncadd.s32 $0xFFFFFFFF  }
0xa5: {  	s26 =	simm.s32 $execute0_lowered;
	[smem:$0x3FD2] =	sst s25  }
0xa6: {  	s5 =	sshll.u32 s26, $0x1;
	_ =	strace $0x80000046;
	[dreg:$0x1] =	wrdreg $0xFFFFFFFF  }
0xa7: {  	s28 =	simm.s32 $_size_execute0_lowered;
	s3 =	sadd.s32 s3, s5;
	[dreg:$0x0] =	wrdreg $0x0  }
0xa8: {  	s5 =	sshll.u32 s28, $0x1;
	[dreg:$0x2] =	wrdreg s3  }
0xa9: {  	[dreg:$0x3] =	wrdreg s5  }
0xaa: {  	[dreg:$0x4] =	wrdreg $0xC0  }
0xab: {  	_ =	task [dreg:s7], $0x5FFFF  }
0xac: {  	[dreg:$0x1] =	wrdreg $0xFFFFFFFF  }
0xad: {  	[dreg:$0x0] =	wrdreg $0x60  }
0xae: {  	[dreg:$0x2] =	wrdreg s24  }
0xaf: {  	[dreg:$0x3] =	wrdreg s2  }
0xb0: {  	[dreg:$0x4] =	wrdreg $0x36000  }
0xb1: {  	[dreg:$0x5] =	wrdreg $0x9  }
0xb2: {  	_ =	task.clear_ibuf [dreg:s7], $0x6FFFF;
	_ =	strace $0x90000046  }
0xb3: {  	s29 =	simm.s32 $0x9;
	_ =	strace $0x80000048  }
0xb4: {  	_ =	swait.ge [sflag:s29], $0x1  }
0xb5: {  	[sflag:s29] =	ssyncadd.s32 $0xFFFFFFFF  }
0xb6: {  	_ =	strace $0x90000048  }
0xb7: {  	_ =	sfence  }
0xb8: {  	s30 =	sld [smem:$0x0];
	_ =	sdelay $0x2  }
0xb9: {  	s31 =	sshll.u32 s1, $0xD;
	s1 =	sshrl.u32 s1, $0x2  }
0xba: {  	s3 =	sand.u32 $0x4000, s31;
	s1 =	sadd.s32 s1, s30  }
0xbb: {  	s0 =	sor.u32 s3, s0;
	s1 =	sshll.u32 s1, $0x11  }
0xbc: {  	s0 =	sor.u32 s1, s0  }
0xbd: {  	s0 =	sadd.s32 $0x8F2B, s0  }
0xbe: {  	[sflag:s0] =	ssyncadd.remote.s32 $0x1  }
0xbf: {  	_ =	sfence.sel $0xFFFF  }
0xc0: {  	[dreg:$0x0] =	wrdreg $0xFFFFFFFF;
	(pc) =	sbr.abs _section_cstart, $3  }
0xc1: {  	[dreg:$0x1] =	wrdreg $0xFFFFFFFF  }
0xc2: {  	_ =	task.clear_ibuf [dreg:s7], $0x2FFFF;
	_ =	strace $0x9FFFFFFF  }
0xc3: {  	(tm) =	ssettm $0x7FFFFFFF  }
tec
execute0_lowered:
.L_overlay_start_1:
0x0: {  	(tag) =	ssettag $0x1  }
0x1: {  	s6 =	rddreg [dreg:$0x0]  }
0x2: {  	s1 =	rddreg [dreg:$0x1]  }
0x3: {  	s3 =	rddreg [dreg:$0x2]  }
0x4: {  	s0 =	rddreg [dreg:$0x3];
	s4 =	simm.s32 $0x0;
	s5 =	srdreg.scid  }
0x5: {  	s2 =	stileid.u32;
	s15 =	simm.s32 $0x64;
	s16 =	simm.s32 $0x80  }
0x6: {  	s17 =	simm.s32 $0x100;
	s18 =	simm.s32 $0x1;
	s19 =	simm.s32 $0x180  }
0x7: {  	s20 =	simm.s32 $0x0;
	[smem:$0x7FF] =	sst s4;
	s8 =	smul.u32 $0x2800, s2  }
0x8: {  	s7 =	sand.u32 $0x1, s5;
	s10 =	sadd.s32 $0x2000, s6;
	s12 =	smul.u32 $0x50000, s2  }
0x9: {  	s5 =	sadd.s32 $0x1B000, s6;
	s29 =	sshll.u32 s2, $0x6;
	s13 =	sshll.u32 s2, $0x5  }
0xa: {  	_ =	strace $0x80000047;
	s9 =	smul.u32 $0x28000, s7;
	s11 =	ssub.s32 $0x2, s7  }
0xb: {  	s30 =	sshll.u32 s7, $0x9;
	s26 =	sshrl.u32 s11, $0x1;
	s28 =	sshrl.u32 s12, $0x2  }
0xc: {  	s7 =	sor.u32 s13, s30;
	s31 =	sadd.s32 s30, s10;
	s8 =	sadd.s32 s8, s9  }
0xd: {  	s9 =	ssub.s32 s11, s26;
	s14 =	sadd.s32 s28, s3;
	s7 =	sadd.s32 s10, s7  }
0xe: {  	s11 =	sadd.s32 s13, s31;
	s13 =	simm.s32 $0x2;
	s8 =	sadd.s32 s8, s6  }
0xf: {  	s6 =	sor.u32 $0x1C02, s29;
	s9 =	smax.u32 s9, $0x1;
	s10 =	sadd.s32 $0x18C00, s7  }
0x10: {  	s12 =	sshrl.u32 s14, $0x3;
	s14 =	simm.s32 $0x200;
	s8 =	sadd.s32 $0x1D800, s8  }
.LBB2_1:
0x11: {  	[spmem:s12], [sflag:s6] =	dma.local [hbm:s5], $0x2800  }
0x12: {  	_ =	swait.ge [sflag:s13], $0x2800  }
0x13: {  	[sflag:s13] =	ssyncset.done $0x0  }
0x14: {  	[sflag:s13] =	ssyncadd.s32 $0xFFFFD800  }
0x15: {  	[tilespmem:s14], [sflag:$0x2] =	stream.linear.gather [hbm4b:s1+s4], $0x3200, $0x38;
	[tilespmem:$0x17600] =	vst v63  }
0x16: {  	_ =	swait.ge [sflag:s13], $0x3200  }
0x17: {  	[sflag:s13] =	ssyncset.done $0x0  }
0x18: {  	[sflag:s13] =	ssyncadd.s32 $0xFFFFCE00  }
0x19: {  	[bflag:$0x0] =	sbarrier.arrive $0xFFFF  }
0x1a: {  	[tilespmem:s4], [sflag:$0x2] =	stream.linear.gather [hbm4b:s7+s4], $0x100, $0x38;
	[tilespmem:$0x17600] =	vst v63  }
0x1b: {  	_ =	swait.ge [sflag:s13], $0x100  }
0x1c: {  	[sflag:s13] =	ssyncset.done $0x0  }
0x1d: {  	s21 =	sadd.s32 $0xFFFE7800, s11;
	[sflag:s13] =	ssyncadd.s32 $0xFFFFFF00  }
0x1e: {  	[spmem:s3] =	stream.indirect.scatter.add.f32 [tilespmem:s14], [sflag:$0x1], $0x80, s16, s15, $0xb8;
	[tilespmem:$0x17600] =	vst v63  }
0x1f: {  	s22 =	sadd.s32 $0x18C00, s21  }
0x20: {  	[tilespmem:s17], [sflag:$0x2] =	stream.linear.gather [hbm4b:s22+s4], $0x100, $0x38;
	[tilespmem:$0x17600] =	vst v63  }
0x21: {  	_ =	swait.ge [sflag:s13], $0x100  }
0x22: {  	[sflag:s13] =	ssyncset.done $0x0  }
0x23: {  	[sflag:s13] =	ssyncadd.s32 $0xFFFFFF00  }
0x24: {  	_ =	swait.ge [sflag:s18], $0x3200  }
0x25: {  	[sflag:s18] =	ssyncset.done $0x0  }
0x26: {  	[sflag:s18] =	ssyncadd.s32 $0xFFFFCE00  }
0x27: {  	[spmem:s3] =	stream.indirect.scatter.add.f32 [tilespmem:s14], [sflag:$0x1], $0x80, s19, s15, $0xb8;
	[tilespmem:$0x17600] =	vst v63  }
0x28: {  	s21 =	sadd.s32 $0x19000, s21  }
0x29: {  	[tilespmem:s4], [sflag:$0x2] =	stream.linear.gather [hbm4b:s21+s4], $0x100, $0x38;
	[tilespmem:$0x17600] =	vst v63  }
0x2a: {  	_ =	swait.ge [sflag:s13], $0x100  }
0x2b: {  	[sflag:s13] =	ssyncset.done $0x0  }
0x2c: {  	[sflag:s13] =	ssyncadd.s32 $0xFFFFFF00  }
0x2d: {  	_ =	swait.ge [sflag:s18], $0x3200  }
0x2e: {  	s21 =	simm.s32 $0xFFFE8000;
	[sflag:s18] =	ssyncset.done $0x0  }
.LBB2_2:
0x2f: {  	s23 =	smov.u32 s21  }
0x30: {  	s22 =	sadd.s32 s21, s11;
	[sflag:s18] =	ssyncadd.s32 $0xFFFFCE00;
	s23 =	sadd.s32 $0x800, s21  }
0x31: {  	[spmem:s3] =	stream.indirect.scatter.add.f32 [tilespmem:s14], [sflag:$0x1], $0x80, s16, s15, $0xb8;
	[tilespmem:$0x17600] =	vst v63  }
0x32: {  	p0 =	sne.s32 s21, $0xFFFFF800;
	s24 =	sadd.s32 $0x18C00, s22  }
0x33: {  	[tilespmem:s17], [sflag:$0x2] =	stream.linear.gather [hbm4b:s24+s4], $0x100, $0x38;
	[tilespmem:$0x17600] =	vst v63  }
0x34: {  	_ =	swait.ge [sflag:s13], $0x100  }
0x35: {  	[sflag:s13] =	ssyncset.done $0x0  }
0x36: {  	[sflag:s13] =	ssyncadd.s32 $0xFFFFFF00  }
0x37: {  	_ =	swait.ge [sflag:s18], $0x3200  }
0x38: {  	[sflag:s18] =	ssyncset.done $0x0  }
0x39: {  	[sflag:s18] =	ssyncadd.s32 $0xFFFFCE00  }
0x3a: {  	[spmem:s3] =	stream.indirect.scatter.add.f32 [tilespmem:s14], [sflag:$0x1], $0x80, s19, s15, $0xb8;
	[tilespmem:$0x17600] =	vst v63  }
0x3b: {  	s21 =	sadd.s32 $0x19000, s22  }
0x3c: {  	[tilespmem:s4], [sflag:$0x2] =	stream.linear.gather [hbm4b:s21+s4], $0x100, $0x38;
	[tilespmem:$0x17600] =	vst v63  }
.Ltmp0:
0x3d: {  	_ =	swait.ge [sflag:s13], $0x100;
	(pc) =	sbr.rel @p0 .LBB2_2-.Ltmp0, $4  }
0x3e: {  	[sflag:s13] =	ssyncset.done $0x0  }
0x3f: {  	[sflag:s13] =	ssyncadd.s32 $0xFFFFFF00  }
0x40: {  	_ =	swait.ge [sflag:s18], $0x3200  }
0x41: {  	s21 =	smov.u32 s23;
	[sflag:s18] =	ssyncset.done $0x0  }
0x42: {  	[sflag:s18] =	ssyncadd.s32 $0xFFFFCE00  }
0x43: {  	[spmem:s3] =	stream.indirect.scatter.add.f32 [tilespmem:s14], [sflag:$0x1], $0x80, s16, s15, $0xb8;
	[tilespmem:$0x17600] =	vst v63  }
0x44: {  	_ = 	snop  }
0x45: {  	[tilespmem:s17], [sflag:$0x2] =	stream.linear.gather [hbm4b:s10+s4], $0x100, $0x38;
	[tilespmem:$0x17600] =	vst v63  }
0x46: {  	_ =	swait.ge [sflag:s13], $0x100  }
0x47: {  	[sflag:s13] =	ssyncset.done $0x0  }
0x48: {  	[sflag:s13] =	ssyncadd.s32 $0xFFFFFF00  }
0x49: {  	_ =	swait.ge [sflag:s18], $0x3200  }
0x4a: {  	[sflag:s18] =	ssyncset.done $0x0  }
0x4b: {  	[sflag:s18] =	ssyncadd.s32 $0xFFFFCE00  }
0x4c: {  	[spmem:s3] =	stream.indirect.scatter.add.f32 [tilespmem:s14], [sflag:$0x1], $0x80, s19, s15, $0xb8;
	[tilespmem:$0x17600] =	vst v63  }
0x4d: {  	_ =	swait.ge [sflag:s18], $0x3200  }
0x4e: {  	s20 =	sadd.s32 $0x1, s20;
	[sflag:s18] =	ssyncset.done $0x0  }
0x4f: {  	p0 =	sne.s32 s20, s9;
	[sflag:s18] =	ssyncadd.s32 $0xFFFFCE00  }
.Ltmp1:
0x50: {  	[bflag:$0x0] =	sbarrier.arrive $0xFFFF;
	(pc) =	sbr.rel @p0 .LBB2_1-.Ltmp1, $4  }
0x51: {  	[hbm:s8], [sflag:s6] =	dma.local [spmem:s12], $0x2800  }
0x52: {  	_ =	swait.ge [sflag:s13], $0x2800  }
0x53: {  	[sflag:s13] =	ssyncset.done $0x0  }
0x54: {  	[sflag:s13] =	ssyncadd.s32 $0xFFFFD800  }
0x55: {  	_ =	sfence.sel $0x180000  }
0x56: {  	[bflag:$0x0] =	sbarrier.arrive $0xFFFF  }
0x57: {  	p0 =	sne.s32 s2, $0x0;
	_ =	strace $0x90000047  }
0x58: {  	s0 =	sadd.s32 @!p0 $0x100000, s0;
	[bflag:$0x2] =	sbarrier.arrive $0xFFFF  }
0x59: {  	[sflag:s0] =	ssyncadd.tile.s32 @!p0 $0x1;
	_ =	shalt  }
.Lfunc_end2:
_tile_overlayer_lowered:
.L_overlay_start_2:
0x5a: {  	(tag) =	ssettag $0x2  }
0x5b: {  	s0 =	rddreg [dreg:$0x0];
	s2 =	stileid.u32  }
0x5c: {  	s1 =	rddreg [dreg:$0x1];
	p0 =	sne.s32 s2, $0x0  }
0x5d: {  	s3 =	rddreg [dreg:$0x2];
	[bflag:$0x3] =	sbarrier.arrive $0xFFFF;
	s2 =	simm.s32 @!p0 $0x1C02  }
0x5e: {  	[timem:s3], [sflag:s2] =	dma.local @!p0 [hbm:s0], s1  }
0x5f: {  	s0 =	simm.s32 @!p0 $0x2  }
0x60: {  	_ =	swait.ge @!p0 [sflag:s0], s1  }
0x61: {  	s1 =	ssub.s32 @!p0 $0x0, s1;
	[sflag:s0] =	ssyncset.done @!p0 $0x0  }
0x62: {  	[sflag:s0] =	ssyncadd.s32 @!p0 s1  }
0x63: {  	[bflag:$0x3] =	sbarrier.arrive $0xFFFF  }
0x64: {  	_ =	shalt  }

</sc_bundles>
